<compile_context>
chip_gen: v7x
topology: tpu7x:2x2x1
jax: 0.10.2.dev20260603
libtpu: 0.0.44.dev20260713+nightly
codegen_flags: <defaults>
</compile_context>

<pallas_src>
import functools

import numpy as np
import jax
import jax.numpy as jnp
from jax import lax
from jax.experimental import pallas as pl
from jax.experimental.pallas import tpu as pltpu
from jax.experimental.pallas import tpu_sc as plsc

_N = 10000
_D = 128
_H = 128
_LH = 128
_G = 4 * _LH
_E = 320000

_NC = 2
_NS = 16
_NW = _NC * _NS
_CHUNK = 128
_NCHUNKS = _E // _CHUNK
_BLK = _NCHUNKS // _NW + 1
_PAIRS = (_BLK - 1) // 2
_ROWS_PER_SUB = 632
_ROWS_LAST = _N - _ROWS_PER_SUB * (_NS - 1)


def _sc_segsum_body(x_hbm, src_hbm, dst_hbm, out_hbm,
                    src0, src1, dst_v, rows0, rows1, acc_sh, sem0, sem1):
    cid = lax.axis_index("c")
    sid = lax.axis_index("s")
    wid = sid * _NC + cid

    base = sid * _ROWS_PER_SUB

    @pl.when(sid < _NS - 1)
    def _():
        pltpu.sync_copy(x_hbm.at[pl.ds(base, _ROWS_PER_SUB)],
                        acc_sh.at[pl.ds(base, _ROWS_PER_SUB)])

    @pl.when(sid == _NS - 1)
    def _():
        pltpu.sync_copy(x_hbm.at[pl.ds(base, _ROWS_LAST)],
                        acc_sh.at[pl.ds(base, _ROWS_LAST)])

    plsc.subcore_barrier()

    pltpu.sync_copy(dst_hbm.at[wid], dst_v)
    pltpu.sync_copy(src_hbm.at[wid, 0], src0)
    pltpu.sync_copy(src_hbm.at[wid, 1], src1)
    pltpu.async_copy(x_hbm.at[src0], rows0, sem0)
    pltpu.async_copy(x_hbm.at[src1], rows1, sem1)

    @pl.loop(0, _PAIRS)
    def _(i):
        k0 = 2 * i

        pltpu.make_async_copy(x_hbm.at[src0], rows0, sem0).wait()
        pltpu.sync_copy(rows0, acc_sh.at[dst_v.at[k0]], add=True)

        @pl.when(k0 + 2 < _BLK)
        def _():
            pltpu.sync_copy(src_hbm.at[wid, k0 + 2], src0)
            pltpu.async_copy(x_hbm.at[src0], rows0, sem0)

        pltpu.make_async_copy(x_hbm.at[src1], rows1, sem1).wait()
        pltpu.sync_copy(rows1, acc_sh.at[dst_v.at[k0 + 1]], add=True)

        @pl.when(k0 + 3 < _BLK)
        def _():
            pltpu.sync_copy(src_hbm.at[wid, k0 + 3], src1)
            pltpu.async_copy(x_hbm.at[src1], rows1, sem1)

    pltpu.make_async_copy(x_hbm.at[src0], rows0, sem0).wait()

    @pl.when(wid < _NCHUNKS - _NW * (_BLK - 1))
    def _():
        pltpu.sync_copy(rows0, acc_sh.at[dst_v.at[_BLK - 1]], add=True)

    plsc.subcore_barrier()

    @pl.when(sid < _NS - 1)
    def _():
        pltpu.sync_copy(acc_sh.at[pl.ds(base, _ROWS_PER_SUB)],
                        out_hbm.at[cid, pl.ds(base, _ROWS_PER_SUB)])

    @pl.when(sid == _NS - 1)
    def _():
        pltpu.sync_copy(acc_sh.at[pl.ds(base, _ROWS_LAST)],
                        out_hbm.at[cid, pl.ds(base, _ROWS_LAST)])


_sc_segsum = functools.partial(
    pl.kernel,
    mesh=plsc.VectorSubcoreMesh(core_axis_name="c", subcore_axis_name="s"),
    out_type=jax.ShapeDtypeStruct((_NC, _N, _D), jnp.float32),
    scratch_types=[
        pltpu.VMEM((_CHUNK,), jnp.int32),
        pltpu.VMEM((_CHUNK,), jnp.int32),
        pltpu.VMEM((_BLK, _CHUNK), jnp.int32),
        pltpu.VMEM((_CHUNK, _D), jnp.float32),
        pltpu.VMEM((_CHUNK, _D), jnp.float32),
        pltpu.VMEM_SHARED((_N, _D), jnp.float32),
        pltpu.SemaphoreType.DMA,
        pltpu.SemaphoreType.DMA,
    ],
)(_sc_segsum_body)

_EXTRA = _NCHUNKS - _NW * (_BLK - 1)
_ROW_IDS = []
for _w in range(_NW):
    _s = _w * (_BLK - 1) + min(_w, _EXTRA)
    _ROW_IDS.append([_s + _i if _s + _i < _NCHUNKS else _w
                     for _i in range(_BLK)])


def _fused_body(x_ref, agg_ref, w1t_ref, b1_ref, w2t_ref, b2_ref,
                gamma_ref, beta_ref, wit_ref, wht_ref, bih_ref,
                wf_ref, bf_ref,
                out_ref, ht_ref, ct_ref, gates_ref, outs_ref):
    h = agg_ref[0, :, :] + agg_ref[1, :, :] - x_ref[...]
    h = jnp.maximum(jnp.dot(h, w1t_ref[...], preferred_element_type=jnp.float32)
                    + b1_ref[...], 0.0)
    h = jnp.dot(h, w2t_ref[...], preferred_element_type=jnp.float32) + b2_ref[...]
    mean = jnp.mean(h, axis=0, keepdims=True)
    var = jnp.mean((h - mean) * (h - mean), axis=0, keepdims=True)
    h = (h - mean) * (gamma_ref[...] * jax.lax.rsqrt(var + 1e-5)) + beta_ref[...]
    h = jnp.maximum(h, 0.0)
    gates_ref[...] = jnp.dot(h, wit_ref[...], preferred_element_type=jnp.float32) \
        + bih_ref[...]

    wht = wht_ref[...]

    def step_block(i, carry):
        hp, cp = carry
        base = pl.multiple_of(i * 8, 8)
        for j in range(8):
            gx = gates_ref[pl.ds(base + j, 1), :]
            g = gx + jnp.dot(hp, wht, preferred_element_type=jnp.float32)
            ih = jnp.tanh(g[:, 0:_LH])
            fh = jnp.tanh(g[:, _LH:2 * _LH])
            gg = jnp.tanh(g[:, 2 * _LH:3 * _LH])
            oh = jnp.tanh(g[:, 3 * _LH:])
            cp = (0.5 * fh + 0.5) * cp + (0.5 * ih + 0.5) * gg
            hp = (0.5 * oh + 0.5) * jnp.tanh(cp)
            outs_ref[pl.ds(base + j, 1), :] = hp
        return hp, cp

    zero = jnp.zeros((1, _LH), jnp.float32)
    hp, cp = jax.lax.fori_loop(0, _N // 8, step_block, (zero, zero))
    ht_ref[...] = hp
    ct_ref[...] = cp
    out_ref[...] = jnp.sum(outs_ref[...] * wf_ref[...], axis=1, keepdims=True) \
        + bf_ref[...]


_GSCALE = np.concatenate(
    [np.full(_LH, 0.5), np.full(_LH, 0.5),
     np.ones(_LH), np.full(_LH, 0.5)]).astype(np.float32)[None, :]


@jax.jit
def kernel(x, edge_index, W1, b1, W2, b2, gamma, beta, Wi, Wh, bi, bh, Wf, bf):
    row_ids = jnp.asarray(_ROW_IDS, dtype=jnp.int32)
    src3d = jnp.take(edge_index[0].reshape(_NCHUNKS, _CHUNK), row_ids, axis=0)
    dst3d = jnp.take(edge_index[1].reshape(_NCHUNKS, _CHUNK), row_ids, axis=0)
    agg2 = _sc_segsum(x, src3d, dst3d)

    out, hT, cT = pl.pallas_call(
        _fused_body,
        out_shape=(
            jax.ShapeDtypeStruct((_N, 1), jnp.float32),
            jax.ShapeDtypeStruct((1, _LH), jnp.float32),
            jax.ShapeDtypeStruct((1, _LH), jnp.float32),
        ),
        scratch_shapes=[
            pltpu.VMEM((_N, _G), jnp.float32),
            pltpu.VMEM((_N, _LH), jnp.float32),
        ],
        compiler_params=pltpu.CompilerParams(
            vmem_limit_bytes=100 * 1024 * 1024,
        ),
    )(
        x, agg2,
        W1.T, b1[None, :], W2.T, b2[None, :],
        gamma[None, :], beta[None, :],
        Wi.T * _GSCALE, Wh.T * _GSCALE, ((bi + bh) * _GSCALE[0])[None, :],
        Wf, bf[None, :],
    )
    return (out.reshape(1, _N), hT[None], cT[None])

# --- scband reference (transcript-rebuilt; emitter-appended) ---
"""Pipeline reference for scband-gnn-lstm-model-23622320128293 (READ-ONLY COPY).

The authoritative reference and input builder live on the scoring server;
editing this copy changes nothing except your own understanding.
"""

import jax, jax.numpy as jnp
import numpy as np

N = 10000
E = 320000
D = 128
H = 128
LH = 128

def setup_inputs(seed: int = 0) -> dict:
    key = jax.random.key(seed)
    ks = jax.random.split(key, 16)
    x = jax.random.normal(ks[0], (N, D), dtype=jnp.float32)
    edge_index = jax.random.randint(ks[1], (2, E), 0, N, dtype=jnp.int32)
    W1 = jax.random.normal(ks[2], (H, D), dtype=jnp.float32) * 0.05
    b1 = jnp.zeros((H,), dtype=jnp.float32)
    W2 = jax.random.normal(ks[3], (H, H), dtype=jnp.float32) * 0.05
    b2 = jnp.zeros((H,), dtype=jnp.float32)
    gamma = jnp.ones((H,), dtype=jnp.float32)
    beta = jnp.zeros((H,), dtype=jnp.float32)
    Wi = jax.random.normal(ks[4], (4 * LH, H), dtype=jnp.float32) * 0.05
    Wh = jax.random.normal(ks[5], (4 * LH, LH), dtype=jnp.float32) * 0.05
    bi = jnp.zeros((4 * LH,), dtype=jnp.float32)
    bh = jnp.zeros((4 * LH,), dtype=jnp.float32)
    Wf = jax.random.normal(ks[6], (1, LH), dtype=jnp.float32) * 0.05
    bf = jnp.zeros((1,), dtype=jnp.float32)
    return {"x": x, "edge_index": edge_index, "W1": W1, "b1": b1, "W2": W2, "b2": b2,
            "gamma": gamma, "beta": beta, "Wi": Wi, "Wh": Wh, "bi": bi, "bh": bh,
            "Wf": Wf, "bf": bf}

def reference(x, edge_index, W1, b1, W2, b2, gamma, beta, Wi, Wh, bi, bh, Wf, bf):
    src = edge_index[0]
    dst = edge_index[1]
    # GINConv: h_i = MLP((1+eps)*x_i + sum_{j->i} x_j), eps=0
    agg = jax.ops.segment_sum(x[src], dst, num_segments=x.shape[0])
    h = x + agg
    h = jnp.maximum(h @ W1.T + b1, 0.0) @ W2.T + b2
    # BatchNorm1d (training-mode batch statistics)
    mean = jnp.mean(h, axis=0)
    var = jnp.var(h, axis=0)
    h = (h - mean) / jnp.sqrt(var + 1e-5) * gamma + beta
    h = jnp.maximum(h, 0.0)
    # dropout is identity in eval mode
    # LSTM over node sequence (batch=1, seq_len=N), PyTorch gate order i,f,g,o
    def step(carry, xt):
        hp, cp = carry
        g = xt @ Wi.T + bi + hp @ Wh.T + bh
        i = jax.nn.sigmoid(g[:LH])
        f = jax.nn.sigmoid(g[LH:2 * LH])
        gg = jnp.tanh(g[2 * LH:3 * LH])
        o = jax.nn.sigmoid(g[3 * LH:])
        c = f * cp + i * gg
        hn = o * jnp.tanh(c)
        return (hn, c), hn
    init = (jnp.zeros((LH,), dtype=jnp.float32), jnp.zeros((LH,), dtype=jnp.float32))
    (hT, cT), outs = jax.lax.scan(step, init, h)
    out = (outs @ Wf.T + bf).squeeze(1)[None, :]
    return (out, hT[None, None, :], cT[None, None, :])

if __name__ == "__main__":
    import jax
    _d = setup_inputs()
    print(jax.jit(kernel)(*tuple(_d.values())))

</pallas_src>

<mosaic_0001>
#map = affine_map<(d0, d1) -> (0, 0)>
#map1 = affine_map<(d0, d1) -> (0, 0, 0)>
module attributes {stable_mosaic.version = 14 : i64} {
  func.func @_sc_segsum_body(%arg0: i32, %arg1: i32, %arg2: memref<10000x128xf32, #tpu.memory_space<hbm>>, %arg3: memref<32x79x128xi32, #tpu.memory_space<hbm>>, %arg4: memref<32x79x128xi32, #tpu.memory_space<hbm>>, %arg5: memref<2x10000x128xf32, #tpu.memory_space<hbm>>, %arg6: memref<128xi32, #tpu.memory_space<vmem>>, %arg7: memref<128xi32, #tpu.memory_space<vmem>>, %arg8: memref<79x128xi32, #tpu.memory_space<vmem>>, %arg9: memref<128x128xf32, #tpu.memory_space<vmem>>, %arg10: memref<128x128xf32, #tpu.memory_space<vmem>>, %arg11: memref<10000x128xf32, #tpu.memory_space<vmem_shared>>, %arg12: memref<!tpu.dma_semaphore, #tpu.memory_space<semaphore_mem>>, %arg13: memref<!tpu.dma_semaphore, #tpu.memory_space<semaphore_mem>>) attributes {dimension_semantics = [#tpu.dimension_semantics<core_parallel>, #tpu.dimension_semantics<subcore_parallel>], iteration_bounds = array<i64: 2, 16>, scalar_prefetch = 0 : i64, scratch_operands = 8 : i64, tpu.core_type = #tpu.core_type<sc_vector_subcore>, window_params = [{transform_indices = #map}, {transform_indices = #map1}, {transform_indices = #map1}, {transform_indices = #map1}]} {
    %mul3A = arith.constant 2 : i32
    %mul3A_0 = arith.muli %arg1, %mul3A : i32
    %add3A = arith.addi %mul3A_0, %arg0 : i32
    %mul3A_1 = arith.constant 632 : i32
    %mul3A_2 = arith.muli %arg1, %mul3A_1 : i32
    %lt3A = arith.constant 15 : i32
    %lt3A_3 = arith.cmpi slt, %arg1, %lt3A : i32
    %convert_element_type3A = arith.extui %lt3A_3 : i1 to i32
    %cond3A = arith.constant 0 : i32
    %cond3A_4 = arith.cmpi ne, %convert_element_type3A, %cond3A : i32
    scf.if %cond3A_4 {
      "tpu.region"() ({
        %run_scoped3A_37 = tpu.sem_alloc : memref<!tpu.dma_semaphore, #tpu.memory_space<semaphore_mem>>
        %dma_start3A_38 = arith.constant 0 : i32
        %dma_start3A_39 = tpu.memref_slice %arg11[%mul3A_2, %dma_start3A_38] : memref<10000x128xf32, #tpu.memory_space<vmem_shared>> -> memref<632x128xf32, #tpu.memory_space<vmem_shared>>
        %dma_start3A_40 = arith.constant 0 : i32
        %dma_start3A_41 = tpu.memref_slice %arg2[%mul3A_2, %dma_start3A_40] : memref<10000x128xf32, #tpu.memory_space<hbm>> -> memref<632x128xf32, #tpu.memory_space<hbm>>
        tpu.enqueue_dma source(%dma_start3A_41 : memref<632x128xf32, #tpu.memory_space<hbm>>) target(%dma_start3A_39 : memref<632x128xf32, #tpu.memory_space<vmem_shared>>) target_semaphore(%run_scoped3A_37 : memref<!tpu.dma_semaphore, #tpu.memory_space<semaphore_mem>>)
        %dma_wait3A_42 = arith.constant 0 : i32
        %dma_wait3A_43 = tpu.memref_slice %arg11[%mul3A_2, %dma_wait3A_42] : memref<10000x128xf32, #tpu.memory_space<vmem_shared>> -> memref<632x128xf32, #tpu.memory_space<vmem_shared>>
        %dma_wait3A_44 = arith.constant 0 : i32
        %dma_wait3A_45 = tpu.memref_slice %arg2[%mul3A_2, %dma_wait3A_44] : memref<10000x128xf32, #tpu.memory_space<hbm>> -> memref<632x128xf32, #tpu.memory_space<hbm>>
        tpu.wait_dma2 semaphore(%run_scoped3A_37 : memref<!tpu.dma_semaphore, #tpu.memory_space<semaphore_mem>>) src(%dma_wait3A_45 : memref<632x128xf32, #tpu.memory_space<hbm>>) dst(%dma_wait3A_43 : memref<632x128xf32, #tpu.memory_space<vmem_shared>>)
        tpu.yield
      }) : () -> ()
    } else {
    }
    %eq3A = arith.constant 15 : i32
    %eq3A_5 = arith.cmpi eq, %arg1, %eq3A : i32
    %convert_element_type3A_6 = arith.extui %eq3A_5 : i1 to i32
    %cond3A_7 = arith.constant 0 : i32
    %cond3A_8 = arith.cmpi ne, %convert_element_type3A_6, %cond3A_7 : i32
    scf.if %cond3A_8 {
      "tpu.region"() ({
        %run_scoped3A_37 = tpu.sem_alloc : memref<!tpu.dma_semaphore, #tpu.memory_space<semaphore_mem>>
        %dma_start3A_38 = arith.constant 0 : i32
        %dma_start3A_39 = tpu.memref_slice %arg11[%mul3A_2, %dma_start3A_38] : memref<10000x128xf32, #tpu.memory_space<vmem_shared>> -> memref<520x128xf32, #tpu.memory_space<vmem_shared>>
        %dma_start3A_40 = arith.constant 0 : i32
        %dma_start3A_41 = tpu.memref_slice %arg2[%mul3A_2, %dma_start3A_40] : memref<10000x128xf32, #tpu.memory_space<hbm>> -> memref<520x128xf32, #tpu.memory_space<hbm>>
        tpu.enqueue_dma source(%dma_start3A_41 : memref<520x128xf32, #tpu.memory_space<hbm>>) target(%dma_start3A_39 : memref<520x128xf32, #tpu.memory_space<vmem_shared>>) target_semaphore(%run_scoped3A_37 : memref<!tpu.dma_semaphore, #tpu.memory_space<semaphore_mem>>)
        %dma_wait3A_42 = arith.constant 0 : i32
        %dma_wait3A_43 = tpu.memref_slice %arg11[%mul3A_2, %dma_wait3A_42] : memref<10000x128xf32, #tpu.memory_space<vmem_shared>> -> memref<520x128xf32, #tpu.memory_space<vmem_shared>>
        %dma_wait3A_44 = arith.constant 0 : i32
        %dma_wait3A_45 = tpu.memref_slice %arg2[%mul3A_2, %dma_wait3A_44] : memref<10000x128xf32, #tpu.memory_space<hbm>> -> memref<520x128xf32, #tpu.memory_space<hbm>>
        tpu.wait_dma2 semaphore(%run_scoped3A_37 : memref<!tpu.dma_semaphore, #tpu.memory_space<semaphore_mem>>) src(%dma_wait3A_45 : memref<520x128xf32, #tpu.memory_space<hbm>>) dst(%dma_wait3A_43 : memref<520x128xf32, #tpu.memory_space<vmem_shared>>)
        tpu.yield
      }) : () -> ()
    } else {
    }
    %barrier3A = arith.constant 0 : index
    tpu.barrier barrier_id(%barrier3A)
    "tpu.region"() ({
      %run_scoped3A_37 = tpu.sem_alloc : memref<!tpu.dma_semaphore, #tpu.memory_space<semaphore_mem>>
      %dma_start3A_38 = arith.constant 0 : i32
      %dma_start3A_39 = arith.constant 0 : i32
      %dma_start3A_40 = tpu.memref_slice %arg4[%add3A, %dma_start3A_38, %dma_start3A_39] : memref<32x79x128xi32, #tpu.memory_space<hbm>> -> memref<1x79x128xi32, #tpu.memory_space<hbm>>
      %dma_start3A_41 = tpu.memref_squeeze %dma_start3A_40 : memref<1x79x128xi32, #tpu.memory_space<hbm>> -> memref<79x128xi32, #tpu.memory_space<hbm>>
      %dma_start3A_42 = arith.constant 0 : i32
      %dma_start3A_43 = arith.constant 0 : i32
      %dma_start3A_44 = tpu.memref_slice %arg4[%add3A, %dma_start3A_42, %dma_start3A_43] : memref<32x79x128xi32, #tpu.memory_space<hbm>> -> memref<1x79x128xi32, #tpu.memory_space<hbm>>
      %dma_start3A_45 = tpu.memref_squeeze %dma_start3A_44 : memref<1x79x128xi32, #tpu.memory_space<hbm>> -> memref<79x128xi32, #tpu.memory_space<hbm>>
      tpu.enqueue_dma source(%dma_start3A_45 : memref<79x128xi32, #tpu.memory_space<hbm>>) target(%arg8 : memref<79x128xi32, #tpu.memory_space<vmem>>) target_semaphore(%run_scoped3A_37 : memref<!tpu.dma_semaphore, #tpu.memory_space<semaphore_mem>>)
      %dma_wait3A_46 = arith.constant 0 : i32
      %dma_wait3A_47 = arith.constant 0 : i32
      %dma_wait3A_48 = tpu.memref_slice %arg4[%add3A, %dma_wait3A_46, %dma_wait3A_47] : memref<32x79x128xi32, #tpu.memory_space<hbm>> -> memref<1x79x128xi32, #tpu.memory_space<hbm>>
      %dma_wait3A_49 = tpu.memref_squeeze %dma_wait3A_48 : memref<1x79x128xi32, #tpu.memory_space<hbm>> -> memref<79x128xi32, #tpu.memory_space<hbm>>
      %dma_wait3A_50 = arith.constant 0 : i32
      %dma_wait3A_51 = arith.constant 0 : i32
      %dma_wait3A_52 = tpu.memref_slice %arg4[%add3A, %dma_wait3A_50, %dma_wait3A_51] : memref<32x79x128xi32, #tpu.memory_space<hbm>> -> memref<1x79x128xi32, #tpu.memory_space<hbm>>
      %dma_wait3A_53 = tpu.memref_squeeze %dma_wait3A_52 : memref<1x79x128xi32, #tpu.memory_space<hbm>> -> memref<79x128xi32, #tpu.memory_space<hbm>>
      tpu.wait_dma2 semaphore(%run_scoped3A_37 : memref<!tpu.dma_semaphore, #tpu.memory_space<semaphore_mem>>) src(%dma_wait3A_53 : memref<79x128xi32, #tpu.memory_space<hbm>>) dst(%arg8 : memref<79x128xi32, #tpu.memory_space<vmem>>)
      tpu.yield
    }) : () -> ()
    %run_scoped3A = arith.constant 0 : i32
    "tpu.region"() ({
      %run_scoped3A_37 = tpu.sem_alloc : memref<!tpu.dma_semaphore, #tpu.memory_space<semaphore_mem>>
      %dma_start3A_38 = arith.constant 0 : i32
      %dma_start3A_39 = tpu.memref_slice %arg3[%add3A, %run_scoped3A, %dma_start3A_38] : memref<32x79x128xi32, #tpu.memory_space<hbm>> -> memref<1x1x128xi32, #tpu.memory_space<hbm>>
      %dma_start3A_40 = tpu.memref_squeeze %dma_start3A_39 : memref<1x1x128xi32, #tpu.memory_space<hbm>> -> memref<128xi32, #tpu.memory_space<hbm>>
      %dma_start3A_41 = arith.constant 0 : i32
      %dma_start3A_42 = tpu.memref_slice %arg3[%add3A, %run_scoped3A, %dma_start3A_41] : memref<32x79x128xi32, #tpu.memory_space<hbm>> -> memref<1x1x128xi32, #tpu.memory_space<hbm>>
      %dma_start3A_43 = tpu.memref_squeeze %dma_start3A_42 : memref<1x1x128xi32, #tpu.memory_space<hbm>> -> memref<128xi32, #tpu.memory_space<hbm>>
      tpu.enqueue_dma source(%dma_start3A_43 : memref<128xi32, #tpu.memory_space<hbm>>) target(%arg6 : memref<128xi32, #tpu.memory_space<vmem>>) target_semaphore(%run_scoped3A_37 : memref<!tpu.dma_semaphore, #tpu.memory_space<semaphore_mem>>)
      %dma_wait3A_44 = arith.constant 0 : i32
      %dma_wait3A_45 = tpu.memref_slice %arg3[%add3A, %run_scoped3A, %dma_wait3A_44] : memref<32x79x128xi32, #tpu.memory_space<hbm>> -> memref<1x1x128xi32, #tpu.memory_space<hbm>>
      %dma_wait3A_46 = tpu.memref_squeeze %dma_wait3A_45 : memref<1x1x128xi32, #tpu.memory_space<hbm>> -> memref<128xi32, #tpu.memory_space<hbm>>
      %dma_wait3A_47 = arith.constant 0 : i32
      %dma_wait3A_48 = tpu.memref_slice %arg3[%add3A, %run_scoped3A, %dma_wait3A_47] : memref<32x79x128xi32, #tpu.memory_space<hbm>> -> memref<1x1x128xi32, #tpu.memory_space<hbm>>
      %dma_wait3A_49 = tpu.memref_squeeze %dma_wait3A_48 : memref<1x1x128xi32, #tpu.memory_space<hbm>> -> memref<128xi32, #tpu.memory_space<hbm>>
      tpu.wait_dma2 semaphore(%run_scoped3A_37 : memref<!tpu.dma_semaphore, #tpu.memory_space<semaphore_mem>>) src(%dma_wait3A_49 : memref<128xi32, #tpu.memory_space<hbm>>) dst(%arg6 : memref<128xi32, #tpu.memory_space<vmem>>)
      tpu.yield
    }) : () -> ()
    %run_scoped3A_9 = arith.constant 1 : i32
    "tpu.region"() ({
      %run_scoped3A_37 = tpu.sem_alloc : memref<!tpu.dma_semaphore, #tpu.memory_space<semaphore_mem>>
      %dma_start3A_38 = arith.constant 0 : i32
      %dma_start3A_39 = tpu.memref_slice %arg3[%add3A, %run_scoped3A_9, %dma_start3A_38] : memref<32x79x128xi32, #tpu.memory_space<hbm>> -> memref<1x1x128xi32, #tpu.memory_space<hbm>>
      %dma_start3A_40 = tpu.memref_squeeze %dma_start3A_39 : memref<1x1x128xi32, #tpu.memory_space<hbm>> -> memref<128xi32, #tpu.memory_space<hbm>>
      %dma_start3A_41 = arith.constant 0 : i32
      %dma_start3A_42 = tpu.memref_slice %arg3[%add3A, %run_scoped3A_9, %dma_start3A_41] : memref<32x79x128xi32, #tpu.memory_space<hbm>> -> memref<1x1x128xi32, #tpu.memory_space<hbm>>
      %dma_start3A_43 = tpu.memref_squeeze %dma_start3A_42 : memref<1x1x128xi32, #tpu.memory_space<hbm>> -> memref<128xi32, #tpu.memory_space<hbm>>
      tpu.enqueue_dma source(%dma_start3A_43 : memref<128xi32, #tpu.memory_space<hbm>>) target(%arg7 : memref<128xi32, #tpu.memory_space<vmem>>) target_semaphore(%run_scoped3A_37 : memref<!tpu.dma_semaphore, #tpu.memory_space<semaphore_mem>>)
      %dma_wait3A_44 = arith.constant 0 : i32
      %dma_wait3A_45 = tpu.memref_slice %arg3[%add3A, %run_scoped3A_9, %dma_wait3A_44] : memref<32x79x128xi32, #tpu.memory_space<hbm>> -> memref<1x1x128xi32, #tpu.memory_space<hbm>>
      %dma_wait3A_46 = tpu.memref_squeeze %dma_wait3A_45 : memref<1x1x128xi32, #tpu.memory_space<hbm>> -> memref<128xi32, #tpu.memory_space<hbm>>
      %dma_wait3A_47 = arith.constant 0 : i32
      %dma_wait3A_48 = tpu.memref_slice %arg3[%add3A, %run_scoped3A_9, %dma_wait3A_47] : memref<32x79x128xi32, #tpu.memory_space<hbm>> -> memref<1x1x128xi32, #tpu.memory_space<hbm>>
      %dma_wait3A_49 = tpu.memref_squeeze %dma_wait3A_48 : memref<1x1x128xi32, #tpu.memory_space<hbm>> -> memref<128xi32, #tpu.memory_space<hbm>>
      tpu.wait_dma2 semaphore(%run_scoped3A_37 : memref<!tpu.dma_semaphore, #tpu.memory_space<semaphore_mem>>) src(%dma_wait3A_49 : memref<128xi32, #tpu.memory_space<hbm>>) dst(%arg7 : memref<128xi32, #tpu.memory_space<vmem>>)
      tpu.yield
    }) : () -> ()
    %dma_start3A = arith.constant 0 : i32
    %dma_start3A_10 = arith.constant 0 : i32
    %dma_start3A_11 = tpu.memref_slice %arg2[%dma_start3A, %dma_start3A_10] : memref<10000x128xf32, #tpu.memory_space<hbm>> -> memref<10000x128xf32, #tpu.memory_space<hbm>>
    tpu.enqueue_indirect_dma source(%dma_start3A_11 : memref<10000x128xf32, #tpu.memory_space<hbm>>) target(%arg9 : memref<128x128xf32, #tpu.memory_space<vmem>>) offsets(%arg6 : memref<128xi32, #tpu.memory_space<vmem>>) semaphore(%arg12 : memref<!tpu.dma_semaphore, #tpu.memory_space<semaphore_mem>>)
    %dma_start3A_12 = arith.constant 0 : i32
    %dma_start3A_13 = arith.constant 0 : i32
    %dma_start3A_14 = tpu.memref_slice %arg2[%dma_start3A_12, %dma_start3A_13] : memref<10000x128xf32, #tpu.memory_space<hbm>> -> memref<10000x128xf32, #tpu.memory_space<hbm>>
    tpu.enqueue_indirect_dma source(%dma_start3A_14 : memref<10000x128xf32, #tpu.memory_space<hbm>>) target(%arg10 : memref<128x128xf32, #tpu.memory_space<vmem>>) offsets(%arg7 : memref<128xi32, #tpu.memory_space<vmem>>) semaphore(%arg13 : memref<!tpu.dma_semaphore, #tpu.memory_space<semaphore_mem>>)
    %scan3A = arith.constant 0 : i32
    %scan3A_15 = arith.constant 39 : i32
    %scan3A_16 = arith.addi %scan3A, %scan3A_15 : i32
    %scan3A_17 = arith.constant 1 : i32
    scf.for %scan3A_37 = %scan3A to %scan3A_16 step %scan3A_17  : i32 {
      %mul3A_38 = arith.constant 1 : i32
      %mul3A_39 = arith.muli %scan3A_37, %mul3A_38 : i32
      %add3A_40 = arith.constant 0 : i32
      %add3A_41 = arith.addi %add3A_40, %mul3A_39 : i32
      %mul3A_42 = arith.constant 2 : i32
      %mul3A_43 = arith.muli %mul3A_42, %add3A_41 : i32
      %dma_wait3A_44 = arith.constant 0 : i32
      %dma_wait3A_45 = arith.constant 0 : i32
      %dma_wait3A_46 = tpu.memref_slice %arg2[%dma_wait3A_44, %dma_wait3A_45] : memref<10000x128xf32, #tpu.memory_space<hbm>> -> memref<10000x128xf32, #tpu.memory_space<hbm>>
      tpu.wait_indirect_dma semaphore(%arg12 : memref<!tpu.dma_semaphore, #tpu.memory_space<semaphore_mem>>) src(%dma_wait3A_46 : memref<10000x128xf32, #tpu.memory_space<hbm>>) dst(%arg9 : memref<128x128xf32, #tpu.memory_space<vmem>>)
      "tpu.region"() ({
        %run_scoped3A_66 = tpu.sem_alloc : memref<!tpu.dma_semaphore, #tpu.memory_space<semaphore_mem>>
        %dma_start3A_67 = arith.constant 0 : i32
        %dma_start3A_68 = tpu.memref_slice %arg8[%mul3A_43, %dma_start3A_67] : memref<79x128xi32, #tpu.memory_space<vmem>> -> memref<1x128xi32, #tpu.memory_space<vmem>>
        %dma_start3A_69 = tpu.memref_squeeze %dma_start3A_68 : memref<1x128xi32, #tpu.memory_space<vmem>> -> memref<128xi32, #tpu.memory_space<vmem>>
        %dma_start3A_70 = arith.constant 0 : i32
        %dma_start3A_71 = arith.constant 0 : i32
        %dma_start3A_72 = tpu.memref_slice %arg11[%dma_start3A_70, %dma_start3A_71] : memref<10000x128xf32, #tpu.memory_space<vmem_shared>> -> memref<10000x128xf32, #tpu.memory_space<vmem_shared>>
        tpu.enqueue_indirect_dma source(%arg9 : memref<128x128xf32, #tpu.memory_space<vmem>>) target(%dma_start3A_72 : memref<10000x128xf32, #tpu.memory_space<vmem_shared>>) offsets(%dma_start3A_69 : memref<128xi32, #tpu.memory_space<vmem>>) semaphore(%run_scoped3A_66 : memref<!tpu.dma_semaphore, #tpu.memory_space<semaphore_mem>>) {add = true}
        %dma_wait3A_73 = arith.constant 0 : i32
        %dma_wait3A_74 = tpu.memref_slice %arg8[%mul3A_43, %dma_wait3A_73] : memref<79x128xi32, #tpu.memory_space<vmem>> -> memref<1x128xi32, #tpu.memory_space<vmem>>
        %dma_wait3A_75 = tpu.memref_squeeze %dma_wait3A_74 : memref<1x128xi32, #tpu.memory_space<vmem>> -> memref<128xi32, #tpu.memory_space<vmem>>
        %dma_wait3A_76 = arith.constant 0 : i32
        %dma_wait3A_77 = arith.constant 0 : i32
        %dma_wait3A_78 = tpu.memref_slice %arg11[%dma_wait3A_76, %dma_wait3A_77] : memref<10000x128xf32, #tpu.memory_space<vmem_shared>> -> memref<10000x128xf32, #tpu.memory_space<vmem_shared>>
        tpu.wait_indirect_dma semaphore(%run_scoped3A_66 : memref<!tpu.dma_semaphore, #tpu.memory_space<semaphore_mem>>) src(%arg9 : memref<128x128xf32, #tpu.memory_space<vmem>>) dst(%dma_wait3A_78 : memref<10000x128xf32, #tpu.memory_space<vmem_shared>>)
        tpu.yield
      }) : () -> ()
      %add3A_47 = arith.constant 2 : i32
      %add3A_48 = arith.addi %mul3A_43, %add3A_47 : i32
      %lt3A_49 = arith.constant 79 : i32
      %lt3A_50 = arith.cmpi slt, %add3A_48, %lt3A_49 : i32
      %convert_element_type3A_51 = arith.extui %lt3A_50 : i1 to i32
      %cond3A_52 = arith.constant 0 : i32
      %cond3A_53 = arith.cmpi ne, %convert_element_type3A_51, %cond3A_52 : i32
      scf.if %cond3A_53 {
        %add3A_66 = arith.constant 2 : i32
        %add3A_67 = arith.addi %mul3A_43, %add3A_66 : i32
        "tpu.region"() ({
          %run_scoped3A_71 = tpu.sem_alloc : memref<!tpu.dma_semaphore, #tpu.memory_space<semaphore_mem>>
          %dma_start3A_72 = arith.constant 0 : i32
          %dma_start3A_73 = tpu.memref_slice %arg3[%add3A, %add3A_67, %dma_start3A_72] : memref<32x79x128xi32, #tpu.memory_space<hbm>> -> memref<1x1x128xi32, #tpu.memory_space<hbm>>
          %dma_start3A_74 = tpu.memref_squeeze %dma_start3A_73 : memref<1x1x128xi32, #tpu.memory_space<hbm>> -> memref<128xi32, #tpu.memory_space<hbm>>
          %dma_start3A_75 = arith.constant 0 : i32
          %dma_start3A_76 = tpu.memref_slice %arg3[%add3A, %add3A_67, %dma_start3A_75] : memref<32x79x128xi32, #tpu.memory_space<hbm>> -> memref<1x1x128xi32, #tpu.memory_space<hbm>>
          %dma_start3A_77 = tpu.memref_squeeze %dma_start3A_76 : memref<1x1x128xi32, #tpu.memory_space<hbm>> -> memref<128xi32, #tpu.memory_space<hbm>>
          tpu.enqueue_dma source(%dma_start3A_77 : memref<128xi32, #tpu.memory_space<hbm>>) target(%arg6 : memref<128xi32, #tpu.memory_space<vmem>>) target_semaphore(%run_scoped3A_71 : memref<!tpu.dma_semaphore, #tpu.memory_space<semaphore_mem>>)
          %dma_wait3A_78 = arith.constant 0 : i32
          %dma_wait3A_79 = tpu.memref_slice %arg3[%add3A, %add3A_67, %dma_wait3A_78] : memref<32x79x128xi32, #tpu.memory_space<hbm>> -> memref<1x1x128xi32, #tpu.memory_space<hbm>>
          %dma_wait3A_80 = tpu.memref_squeeze %dma_wait3A_79 : memref<1x1x128xi32, #tpu.memory_space<hbm>> -> memref<128xi32, #tpu.memory_space<hbm>>
          %dma_wait3A_81 = arith.constant 0 : i32
          %dma_wait3A_82 = tpu.memref_slice %arg3[%add3A, %add3A_67, %dma_wait3A_81] : memref<32x79x128xi32, #tpu.memory_space<hbm>> -> memref<1x1x128xi32, #tpu.memory_space<hbm>>
          %dma_wait3A_83 = tpu.memref_squeeze %dma_wait3A_82 : memref<1x1x128xi32, #tpu.memory_space<hbm>> -> memref<128xi32, #tpu.memory_space<hbm>>
          tpu.wait_dma2 semaphore(%run_scoped3A_71 : memref<!tpu.dma_semaphore, #tpu.memory_space<semaphore_mem>>) src(%dma_wait3A_83 : memref<128xi32, #tpu.memory_space<hbm>>) dst(%arg6 : memref<128xi32, #tpu.memory_space<vmem>>)
          tpu.yield
        }) : () -> ()
        %dma_start3A_68 = arith.constant 0 : i32
        %dma_start3A_69 = arith.constant 0 : i32
        %dma_start3A_70 = tpu.memref_slice %arg2[%dma_start3A_68, %dma_start3A_69] : memref<10000x128xf32, #tpu.memory_space<hbm>> -> memref<10000x128xf32, #tpu.memory_space<hbm>>
        tpu.enqueue_indirect_dma source(%dma_start3A_70 : memref<10000x128xf32, #tpu.memory_space<hbm>>) target(%arg9 : memref<128x128xf32, #tpu.memory_space<vmem>>) offsets(%arg6 : memref<128xi32, #tpu.memory_space<vmem>>) semaphore(%arg12 : memref<!tpu.dma_semaphore, #tpu.memory_space<semaphore_mem>>)
      } else {
      }
      %dma_wait3A_54 = arith.constant 0 : i32
      %dma_wait3A_55 = arith.constant 0 : i32
      %dma_wait3A_56 = tpu.memref_slice %arg2[%dma_wait3A_54, %dma_wait3A_55] : memref<10000x128xf32, #tpu.memory_space<hbm>> -> memref<10000x128xf32, #tpu.memory_space<hbm>>
      tpu.wait_indirect_dma semaphore(%arg13 : memref<!tpu.dma_semaphore, #tpu.memory_space<semaphore_mem>>) src(%dma_wait3A_56 : memref<10000x128xf32, #tpu.memory_space<hbm>>) dst(%arg10 : memref<128x128xf32, #tpu.memory_space<vmem>>)
      %add3A_57 = arith.constant 1 : i32
      %add3A_58 = arith.addi %mul3A_43, %add3A_57 : i32
      "tpu.region"() ({
        %run_scoped3A_66 = tpu.sem_alloc : memref<!tpu.dma_semaphore, #tpu.memory_space<semaphore_mem>>
        %dma_start3A_67 = arith.constant 0 : i32
        %dma_start3A_68 = tpu.memref_slice %arg8[%add3A_58, %dma_start3A_67] : memref<79x128xi32, #tpu.memory_space<vmem>> -> memref<1x128xi32, #tpu.memory_space<vmem>>
        %dma_start3A_69 = tpu.memref_squeeze %dma_start3A_68 : memref<1x128xi32, #tpu.memory_space<vmem>> -> memref<128xi32, #tpu.memory_space<vmem>>
        %dma_start3A_70 = arith.constant 0 : i32
        %dma_start3A_71 = arith.constant 0 : i32
        %dma_start3A_72 = tpu.memref_slice %arg11[%dma_start3A_70, %dma_start3A_71] : memref<10000x128xf32, #tpu.memory_space<vmem_shared>> -> memref<10000x128xf32, #tpu.memory_space<vmem_shared>>
        tpu.enqueue_indirect_dma source(%arg10 : memref<128x128xf32, #tpu.memory_space<vmem>>) target(%dma_start3A_72 : memref<10000x128xf32, #tpu.memory_space<vmem_shared>>) offsets(%dma_start3A_69 : memref<128xi32, #tpu.memory_space<vmem>>) semaphore(%run_scoped3A_66 : memref<!tpu.dma_semaphore, #tpu.memory_space<semaphore_mem>>) {add = true}
        %dma_wait3A_73 = arith.constant 0 : i32
        %dma_wait3A_74 = tpu.memref_slice %arg8[%add3A_58, %dma_wait3A_73] : memref<79x128xi32, #tpu.memory_space<vmem>> -> memref<1x128xi32, #tpu.memory_space<vmem>>
        %dma_wait3A_75 = tpu.memref_squeeze %dma_wait3A_74 : memref<1x128xi32, #tpu.memory_space<vmem>> -> memref<128xi32, #tpu.memory_space<vmem>>
        %dma_wait3A_76 = arith.constant 0 : i32
        %dma_wait3A_77 = arith.constant 0 : i32
        %dma_wait3A_78 = tpu.memref_slice %arg11[%dma_wait3A_76, %dma_wait3A_77] : memref<10000x128xf32, #tpu.memory_space<vmem_shared>> -> memref<10000x128xf32, #tpu.memory_space<vmem_shared>>
        tpu.wait_indirect_dma semaphore(%run_scoped3A_66 : memref<!tpu.dma_semaphore, #tpu.memory_space<semaphore_mem>>) src(%arg10 : memref<128x128xf32, #tpu.memory_space<vmem>>) dst(%dma_wait3A_78 : memref<10000x128xf32, #tpu.memory_space<vmem_shared>>)
        tpu.yield
      }) : () -> ()
      %add3A_59 = arith.constant 3 : i32
      %add3A_60 = arith.addi %mul3A_43, %add3A_59 : i32
      %lt3A_61 = arith.constant 79 : i32
      %lt3A_62 = arith.cmpi slt, %add3A_60, %lt3A_61 : i32
      %convert_element_type3A_63 = arith.extui %lt3A_62 : i1 to i32
      %cond3A_64 = arith.constant 0 : i32
      %cond3A_65 = arith.cmpi ne, %convert_element_type3A_63, %cond3A_64 : i32
      scf.if %cond3A_65 {
        %add3A_66 = arith.constant 3 : i32
        %add3A_67 = arith.addi %mul3A_43, %add3A_66 : i32
        "tpu.region"() ({
          %run_scoped3A_71 = tpu.sem_alloc : memref<!tpu.dma_semaphore, #tpu.memory_space<semaphore_mem>>
          %dma_start3A_72 = arith.constant 0 : i32
          %dma_start3A_73 = tpu.memref_slice %arg3[%add3A, %add3A_67, %dma_start3A_72] : memref<32x79x128xi32, #tpu.memory_space<hbm>> -> memref<1x1x128xi32, #tpu.memory_space<hbm>>
          %dma_start3A_74 = tpu.memref_squeeze %dma_start3A_73 : memref<1x1x128xi32, #tpu.memory_space<hbm>> -> memref<128xi32, #tpu.memory_space<hbm>>
          %dma_start3A_75 = arith.constant 0 : i32
          %dma_start3A_76 = tpu.memref_slice %arg3[%add3A, %add3A_67, %dma_start3A_75] : memref<32x79x128xi32, #tpu.memory_space<hbm>> -> memref<1x1x128xi32, #tpu.memory_space<hbm>>
          %dma_start3A_77 = tpu.memref_squeeze %dma_start3A_76 : memref<1x1x128xi32, #tpu.memory_space<hbm>> -> memref<128xi32, #tpu.memory_space<hbm>>
          tpu.enqueue_dma source(%dma_start3A_77 : memref<128xi32, #tpu.memory_space<hbm>>) target(%arg7 : memref<128xi32, #tpu.memory_space<vmem>>) target_semaphore(%run_scoped3A_71 : memref<!tpu.dma_semaphore, #tpu.memory_space<semaphore_mem>>)
          %dma_wait3A_78 = arith.constant 0 : i32
          %dma_wait3A_79 = tpu.memref_slice %arg3[%add3A, %add3A_67, %dma_wait3A_78] : memref<32x79x128xi32, #tpu.memory_space<hbm>> -> memref<1x1x128xi32, #tpu.memory_space<hbm>>
          %dma_wait3A_80 = tpu.memref_squeeze %dma_wait3A_79 : memref<1x1x128xi32, #tpu.memory_space<hbm>> -> memref<128xi32, #tpu.memory_space<hbm>>
          %dma_wait3A_81 = arith.constant 0 : i32
          %dma_wait3A_82 = tpu.memref_slice %arg3[%add3A, %add3A_67, %dma_wait3A_81] : memref<32x79x128xi32, #tpu.memory_space<hbm>> -> memref<1x1x128xi32, #tpu.memory_space<hbm>>
          %dma_wait3A_83 = tpu.memref_squeeze %dma_wait3A_82 : memref<1x1x128xi32, #tpu.memory_space<hbm>> -> memref<128xi32, #tpu.memory_space<hbm>>
          tpu.wait_dma2 semaphore(%run_scoped3A_71 : memref<!tpu.dma_semaphore, #tpu.memory_space<semaphore_mem>>) src(%dma_wait3A_83 : memref<128xi32, #tpu.memory_space<hbm>>) dst(%arg7 : memref<128xi32, #tpu.memory_space<vmem>>)
          tpu.yield
        }) : () -> ()
        %dma_start3A_68 = arith.constant 0 : i32
        %dma_start3A_69 = arith.constant 0 : i32
        %dma_start3A_70 = tpu.memref_slice %arg2[%dma_start3A_68, %dma_start3A_69] : memref<10000x128xf32, #tpu.memory_space<hbm>> -> memref<10000x128xf32, #tpu.memory_space<hbm>>
        tpu.enqueue_indirect_dma source(%dma_start3A_70 : memref<10000x128xf32, #tpu.memory_space<hbm>>) target(%arg10 : memref<128x128xf32, #tpu.memory_space<vmem>>) offsets(%arg7 : memref<128xi32, #tpu.memory_space<vmem>>) semaphore(%arg13 : memref<!tpu.dma_semaphore, #tpu.memory_space<semaphore_mem>>)
      } else {
      }
    }
    %scan3A_18 = arith.constant 39 : i32
    %dma_wait3A = arith.constant 0 : i32
    %dma_wait3A_19 = arith.constant 0 : i32
    %dma_wait3A_20 = tpu.memref_slice %arg2[%dma_wait3A, %dma_wait3A_19] : memref<10000x128xf32, #tpu.memory_space<hbm>> -> memref<10000x128xf32, #tpu.memory_space<hbm>>
    tpu.wait_indirect_dma semaphore(%arg12 : memref<!tpu.dma_semaphore, #tpu.memory_space<semaphore_mem>>) src(%dma_wait3A_20 : memref<10000x128xf32, #tpu.memory_space<hbm>>) dst(%arg9 : memref<128x128xf32, #tpu.memory_space<vmem>>)
    %lt3A_21 = arith.constant 4 : i32
    %lt3A_22 = arith.cmpi slt, %add3A, %lt3A_21 : i32
    %convert_element_type3A_23 = arith.extui %lt3A_22 : i1 to i32
    %cond3A_24 = arith.constant 0 : i32
    %cond3A_25 = arith.cmpi ne, %convert_element_type3A_23, %cond3A_24 : i32
    scf.if %cond3A_25 {
      %run_scoped3A_37 = arith.constant 78 : i32
      "tpu.region"() ({
        %run_scoped3A_38 = tpu.sem_alloc : memref<!tpu.dma_semaphore, #tpu.memory_space<semaphore_mem>>
        %dma_start3A_39 = arith.constant 0 : i32
        %dma_start3A_40 = tpu.memref_slice %arg8[%run_scoped3A_37, %dma_start3A_39] : memref<79x128xi32, #tpu.memory_space<vmem>> -> memref<1x128xi32, #tpu.memory_space<vmem>>
        %dma_start3A_41 = tpu.memref_squeeze %dma_start3A_40 : memref<1x128xi32, #tpu.memory_space<vmem>> -> memref<128xi32, #tpu.memory_space<vmem>>
        %dma_start3A_42 = arith.constant 0 : i32
        %dma_start3A_43 = arith.constant 0 : i32
        %dma_start3A_44 = tpu.memref_slice %arg11[%dma_start3A_42, %dma_start3A_43] : memref<10000x128xf32, #tpu.memory_space<vmem_shared>> -> memref<10000x128xf32, #tpu.memory_space<vmem_shared>>
        tpu.enqueue_indirect_dma source(%arg9 : memref<128x128xf32, #tpu.memory_space<vmem>>) target(%dma_start3A_44 : memref<10000x128xf32, #tpu.memory_space<vmem_shared>>) offsets(%dma_start3A_41 : memref<128xi32, #tpu.memory_space<vmem>>) semaphore(%run_scoped3A_38 : memref<!tpu.dma_semaphore, #tpu.memory_space<semaphore_mem>>) {add = true}
        %dma_wait3A_45 = arith.constant 0 : i32
        %dma_wait3A_46 = tpu.memref_slice %arg8[%run_scoped3A_37, %dma_wait3A_45] : memref<79x128xi32, #tpu.memory_space<vmem>> -> memref<1x128xi32, #tpu.memory_space<vmem>>
        %dma_wait3A_47 = tpu.memref_squeeze %dma_wait3A_46 : memref<1x128xi32, #tpu.memory_space<vmem>> -> memref<128xi32, #tpu.memory_space<vmem>>
        %dma_wait3A_48 = arith.constant 0 : i32
        %dma_wait3A_49 = arith.constant 0 : i32
        %dma_wait3A_50 = tpu.memref_slice %arg11[%dma_wait3A_48, %dma_wait3A_49] : memref<10000x128xf32, #tpu.memory_space<vmem_shared>> -> memref<10000x128xf32, #tpu.memory_space<vmem_shared>>
        tpu.wait_indirect_dma semaphore(%run_scoped3A_38 : memref<!tpu.dma_semaphore, #tpu.memory_space<semaphore_mem>>) src(%arg9 : memref<128x128xf32, #tpu.memory_space<vmem>>) dst(%dma_wait3A_50 : memref<10000x128xf32, #tpu.memory_space<vmem_shared>>)
        tpu.yield
      }) : () -> ()
    } else {
    }
    %barrier3A_26 = arith.constant 0 : index
    tpu.barrier barrier_id(%barrier3A_26)
    %lt3A_27 = arith.constant 15 : i32
    %lt3A_28 = arith.cmpi slt, %arg1, %lt3A_27 : i32
    %convert_element_type3A_29 = arith.extui %lt3A_28 : i1 to i32
    %cond3A_30 = arith.constant 0 : i32
    %cond3A_31 = arith.cmpi ne, %convert_element_type3A_29, %cond3A_30 : i32
    scf.if %cond3A_31 {
      "tpu.region"() ({
        %run_scoped3A_37 = tpu.sem_alloc : memref<!tpu.dma_semaphore, #tpu.memory_space<semaphore_mem>>
        %dma_start3A_38 = arith.constant 0 : i32
        %dma_start3A_39 = tpu.memref_slice %arg5[%arg0, %mul3A_2, %dma_start3A_38] : memref<2x10000x128xf32, #tpu.memory_space<hbm>> -> memref<1x632x128xf32, #tpu.memory_space<hbm>>
        %dma_start3A_40 = tpu.memref_squeeze %dma_start3A_39 : memref<1x632x128xf32, #tpu.memory_space<hbm>> -> memref<632x128xf32, #tpu.memory_space<hbm>>
        %dma_start3A_41 = arith.constant 0 : i32
        %dma_start3A_42 = tpu.memref_slice %arg11[%mul3A_2, %dma_start3A_41] : memref<10000x128xf32, #tpu.memory_space<vmem_shared>> -> memref<632x128xf32, #tpu.memory_space<vmem_shared>>
        tpu.enqueue_dma source(%dma_start3A_42 : memref<632x128xf32, #tpu.memory_space<vmem_shared>>) target(%dma_start3A_40 : memref<632x128xf32, #tpu.memory_space<hbm>>) target_semaphore(%run_scoped3A_37 : memref<!tpu.dma_semaphore, #tpu.memory_space<semaphore_mem>>)
        %dma_wait3A_43 = arith.constant 0 : i32
        %dma_wait3A_44 = tpu.memref_slice %arg5[%arg0, %mul3A_2, %dma_wait3A_43] : memref<2x10000x128xf32, #tpu.memory_space<hbm>> -> memref<1x632x128xf32, #tpu.memory_space<hbm>>
        %dma_wait3A_45 = tpu.memref_squeeze %dma_wait3A_44 : memref<1x632x128xf32, #tpu.memory_space<hbm>> -> memref<632x128xf32, #tpu.memory_space<hbm>>
        %dma_wait3A_46 = arith.constant 0 : i32
        %dma_wait3A_47 = tpu.memref_slice %arg11[%mul3A_2, %dma_wait3A_46] : memref<10000x128xf32, #tpu.memory_space<vmem_shared>> -> memref<632x128xf32, #tpu.memory_space<vmem_shared>>
        tpu.wait_dma2 semaphore(%run_scoped3A_37 : memref<!tpu.dma_semaphore, #tpu.memory_space<semaphore_mem>>) src(%dma_wait3A_47 : memref<632x128xf32, #tpu.memory_space<vmem_shared>>) dst(%dma_wait3A_45 : memref<632x128xf32, #tpu.memory_space<hbm>>)
        tpu.yield
      }) : () -> ()
    } else {
    }
    %eq3A_32 = arith.constant 15 : i32
    %eq3A_33 = arith.cmpi eq, %arg1, %eq3A_32 : i32
    %convert_element_type3A_34 = arith.extui %eq3A_33 : i1 to i32
    %cond3A_35 = arith.constant 0 : i32
    %cond3A_36 = arith.cmpi ne, %convert_element_type3A_34, %cond3A_35 : i32
    scf.if %cond3A_36 {
      "tpu.region"() ({
        %run_scoped3A_37 = tpu.sem_alloc : memref<!tpu.dma_semaphore, #tpu.memory_space<semaphore_mem>>
        %dma_start3A_38 = arith.constant 0 : i32
        %dma_start3A_39 = tpu.memref_slice %arg5[%arg0, %mul3A_2, %dma_start3A_38] : memref<2x10000x128xf32, #tpu.memory_space<hbm>> -> memref<1x520x128xf32, #tpu.memory_space<hbm>>
        %dma_start3A_40 = tpu.memref_squeeze %dma_start3A_39 : memref<1x520x128xf32, #tpu.memory_space<hbm>> -> memref<520x128xf32, #tpu.memory_space<hbm>>
        %dma_start3A_41 = arith.constant 0 : i32
        %dma_start3A_42 = tpu.memref_slice %arg11[%mul3A_2, %dma_start3A_41] : memref<10000x128xf32, #tpu.memory_space<vmem_shared>> -> memref<520x128xf32, #tpu.memory_space<vmem_shared>>
        tpu.enqueue_dma source(%dma_start3A_42 : memref<520x128xf32, #tpu.memory_space<vmem_shared>>) target(%dma_start3A_40 : memref<520x128xf32, #tpu.memory_space<hbm>>) target_semaphore(%run_scoped3A_37 : memref<!tpu.dma_semaphore, #tpu.memory_space<semaphore_mem>>)
        %dma_wait3A_43 = arith.constant 0 : i32
        %dma_wait3A_44 = tpu.memref_slice %arg5[%arg0, %mul3A_2, %dma_wait3A_43] : memref<2x10000x128xf32, #tpu.memory_space<hbm>> -> memref<1x520x128xf32, #tpu.memory_space<hbm>>
        %dma_wait3A_45 = tpu.memref_squeeze %dma_wait3A_44 : memref<1x520x128xf32, #tpu.memory_space<hbm>> -> memref<520x128xf32, #tpu.memory_space<hbm>>
        %dma_wait3A_46 = arith.constant 0 : i32
        %dma_wait3A_47 = tpu.memref_slice %arg11[%mul3A_2, %dma_wait3A_46] : memref<10000x128xf32, #tpu.memory_space<vmem_shared>> -> memref<520x128xf32, #tpu.memory_space<vmem_shared>>
        tpu.wait_dma2 semaphore(%run_scoped3A_37 : memref<!tpu.dma_semaphore, #tpu.memory_space<semaphore_mem>>) src(%dma_wait3A_47 : memref<520x128xf32, #tpu.memory_space<vmem_shared>>) dst(%dma_wait3A_45 : memref<520x128xf32, #tpu.memory_space<hbm>>)
        tpu.yield
      }) : () -> ()
    } else {
    }
    return
  }
}

module attributes {stable_mosaic.version = 14 : i64} {
  func.func @_fused_body(%arg0: memref<10000x128xf32, #tpu.memory_space<vmem>>, %arg1: memref<2x10000x128xf32, #tpu.memory_space<vmem>>, %arg2: memref<128x128xf32, #tpu.memory_space<vmem>>, %arg3: memref<1x128xf32, #tpu.memory_space<vmem>>, %arg4: memref<128x128xf32, #tpu.memory_space<vmem>>, %arg5: memref<1x128xf32, #tpu.memory_space<vmem>>, %arg6: memref<1x128xf32, #tpu.memory_space<vmem>>, %arg7: memref<1x128xf32, #tpu.memory_space<vmem>>, %arg8: memref<128x512xf32, #tpu.memory_space<vmem>>, %arg9: memref<128x512xf32, #tpu.memory_space<vmem>>, %arg10: memref<1x512xf32, #tpu.memory_space<vmem>>, %arg11: memref<1x128xf32, #tpu.memory_space<vmem>>, %arg12: memref<1x1xf32, #tpu.memory_space<vmem>>, %arg13: memref<10000x1xf32, #tpu.memory_space<vmem>>, %arg14: memref<1x128xf32, #tpu.memory_space<vmem>>, %arg15: memref<1x128xf32, #tpu.memory_space<vmem>>, %arg16: memref<10000x512xf32, #tpu.memory_space<vmem>>, %arg17: memref<10000x128xf32, #tpu.memory_space<vmem>>) attributes {dimension_semantics = [], scalar_prefetch = 0 : i64, scratch_operands = 2 : i64, tpu.core_type = #tpu.core_type<tc>} {
    %get3A = arith.constant 0 : index
    %get3A_0 = arith.constant 0 : index
    %get3A_1 = arith.constant 0 : index
    %get3A_2 = vector.load %arg1[%get3A, %get3A_0, %get3A_1] : memref<2x10000x128xf32, #tpu.memory_space<vmem>>, vector<1x10000x128xf32>
    %get3A_3 = vector.shape_cast %get3A_2 : vector<1x10000x128xf32> to vector<10000x128xf32>
    %get3A_4 = arith.constant 1 : index
    %get3A_5 = arith.constant 0 : index
    %get3A_6 = arith.constant 0 : index
    %get3A_7 = vector.load %arg1[%get3A_4, %get3A_5, %get3A_6] : memref<2x10000x128xf32, #tpu.memory_space<vmem>>, vector<1x10000x128xf32>
    %get3A_8 = vector.shape_cast %get3A_7 : vector<1x10000x128xf32> to vector<10000x128xf32>
    %add3A = arith.addf %get3A_3, %get3A_8 : vector<10000x128xf32>
    %get3A_9 = arith.constant 0 : index
    %get3A_10 = arith.constant 0 : index
    %get3A_11 = vector.load %arg0[%get3A_9, %get3A_10] : memref<10000x128xf32, #tpu.memory_space<vmem>>, vector<10000x128xf32>
    %sub3A = arith.subf %add3A, %get3A_11 : vector<10000x128xf32>
    %get3A_12 = arith.constant 0 : index
    %get3A_13 = arith.constant 0 : index
    %get3A_14 = vector.load %arg2[%get3A_12, %get3A_13] : memref<128x128xf32, #tpu.memory_space<vmem>>, vector<128x128xf32>
    %dot_general3A = arith.constant dense<0.000000e+00> : vector<10000x128xf32>
    %dot_general3A_15 = tpu.matmul %sub3A, %get3A_14, %dot_general3A {dimension_numbers = #tpu.dot_dimension_numbers<[1], [0], [0], [1], [0, 0, 1, 1], [], []>, transpose_lhs_hint = false} : vector<10000x128xf32>, vector<128x128xf32>, vector<10000x128xf32> -> vector<10000x128xf32>
    %get3A_16 = arith.constant 0 : index
    %get3A_17 = arith.constant 0 : index
    %get3A_18 = vector.load %arg3[%get3A_16, %get3A_17] : memref<1x128xf32, #tpu.memory_space<vmem>>, vector<1x128xf32>
    %add3A_19 = vector.broadcast %get3A_18 : vector<1x128xf32> to vector<10000x128xf32>
    %add3A_20 = arith.addf %dot_general3A_15, %add3A_19 : vector<10000x128xf32>
    %max3A = arith.constant 0.000000e+00 : f32
    %max3A_21 = vector.broadcast %max3A : f32 to vector<10000x128xf32>
    %max3A_22 = arith.maximumf %add3A_20, %max3A_21 : vector<10000x128xf32>
    %get3A_23 = arith.constant 0 : index
    %get3A_24 = arith.constant 0 : index
    %get3A_25 = vector.load %arg4[%get3A_23, %get3A_24] : memref<128x128xf32, #tpu.memory_space<vmem>>, vector<128x128xf32>
    %dot_general3A_26 = arith.constant dense<0.000000e+00> : vector<10000x128xf32>
    %dot_general3A_27 = tpu.matmul %max3A_22, %get3A_25, %dot_general3A_26 {dimension_numbers = #tpu.dot_dimension_numbers<[1], [0], [0], [1], [0, 0, 1, 1], [], []>, transpose_lhs_hint = false} : vector<10000x128xf32>, vector<128x128xf32>, vector<10000x128xf32> -> vector<10000x128xf32>
    %get3A_28 = arith.constant 0 : index
    %get3A_29 = arith.constant 0 : index
    %get3A_30 = vector.load %arg5[%get3A_28, %get3A_29] : memref<1x128xf32, #tpu.memory_space<vmem>>, vector<1x128xf32>
    %add3A_31 = vector.broadcast %get3A_30 : vector<1x128xf32> to vector<10000x128xf32>
    %add3A_32 = arith.addf %dot_general3A_27, %add3A_31 : vector<10000x128xf32>
    %reduce_sum3A = arith.constant dense<0.000000e+00> : vector<128xf32>
    %reduce_sum3A_33 = vector.multi_reduction <add>, %add3A_32, %reduce_sum3A [0] : vector<10000x128xf32> to vector<128xf32>
    %broadcast_in_dim3A = vector.shape_cast %reduce_sum3A_33 : vector<128xf32> to vector<1x128xf32>
    %div3A = arith.constant 1.000000e+04 : f32
    %div3A_34 = vector.broadcast %div3A : f32 to vector<1x128xf32>
    %div3A_35 = arith.divf %broadcast_in_dim3A, %div3A_34 : vector<1x128xf32>
    %sub3A_36 = vector.broadcast %div3A_35 : vector<1x128xf32> to vector<10000x128xf32>
    %sub3A_37 = arith.subf %add3A_32, %sub3A_36 : vector<10000x128xf32>
    %sub3A_38 = vector.broadcast %div3A_35 : vector<1x128xf32> to vector<10000x128xf32>
    %sub3A_39 = arith.subf %add3A_32, %sub3A_38 : vector<10000x128xf32>
    %mul3A = arith.mulf %sub3A_37, %sub3A_39 : vector<10000x128xf32>
    %reduce_sum3A_40 = arith.constant dense<0.000000e+00> : vector<128xf32>
    %reduce_sum3A_41 = vector.multi_reduction <add>, %mul3A, %reduce_sum3A_40 [0] : vector<10000x128xf32> to vector<128xf32>
    %broadcast_in_dim3A_42 = vector.shape_cast %reduce_sum3A_41 : vector<128xf32> to vector<1x128xf32>
    %div3A_43 = arith.constant 1.000000e+04 : f32
    %div3A_44 = vector.broadcast %div3A_43 : f32 to vector<1x128xf32>
    %div3A_45 = arith.divf %broadcast_in_dim3A_42, %div3A_44 : vector<1x128xf32>
    %sub3A_46 = vector.broadcast %div3A_35 : vector<1x128xf32> to vector<10000x128xf32>
    %sub3A_47 = arith.subf %add3A_32, %sub3A_46 : vector<10000x128xf32>
    %get3A_48 = arith.constant 0 : index
    %get3A_49 = arith.constant 0 : index
    %get3A_50 = vector.load %arg6[%get3A_48, %get3A_49] : memref<1x128xf32, #tpu.memory_space<vmem>>, vector<1x128xf32>
    %add3A_51 = arith.constant 9.99999974E-6 : f32
    %add3A_52 = vector.broadcast %add3A_51 : f32 to vector<1x128xf32>
    %add3A_53 = arith.addf %div3A_45, %add3A_52 : vector<1x128xf32>
    %rsqrt3A = math.rsqrt %add3A_53 : vector<1x128xf32>
    %mul3A_54 = arith.mulf %get3A_50, %rsqrt3A : vector<1x128xf32>
    %mul3A_55 = vector.broadcast %mul3A_54 : vector<1x128xf32> to vector<10000x128xf32>
    %mul3A_56 = arith.mulf %sub3A_47, %mul3A_55 : vector<10000x128xf32>
    %get3A_57 = arith.constant 0 : index
    %get3A_58 = arith.constant 0 : index
    %get3A_59 = vector.load %arg7[%get3A_57, %get3A_58] : memref<1x128xf32, #tpu.memory_space<vmem>>, vector<1x128xf32>
    %add3A_60 = vector.broadcast %get3A_59 : vector<1x128xf32> to vector<10000x128xf32>
    %add3A_61 = arith.addf %mul3A_56, %add3A_60 : vector<10000x128xf32>
    %max3A_62 = arith.constant 0.000000e+00 : f32
    %max3A_63 = vector.broadcast %max3A_62 : f32 to vector<10000x128xf32>
    %max3A_64 = arith.maximumf %add3A_61, %max3A_63 : vector<10000x128xf32>
    %get3A_65 = arith.constant 0 : index
    %get3A_66 = arith.constant 0 : index
    %get3A_67 = vector.load %arg8[%get3A_65, %get3A_66] : memref<128x512xf32, #tpu.memory_space<vmem>>, vector<128x512xf32>
    %dot_general3A_68 = arith.constant dense<0.000000e+00> : vector<10000x512xf32>
    %dot_general3A_69 = tpu.matmul %max3A_64, %get3A_67, %dot_general3A_68 {dimension_numbers = #tpu.dot_dimension_numbers<[1], [0], [0], [1], [0, 0, 1, 1], [], []>, transpose_lhs_hint = false} : vector<10000x128xf32>, vector<128x512xf32>, vector<10000x512xf32> -> vector<10000x512xf32>
    %get3A_70 = arith.constant 0 : index
    %get3A_71 = arith.constant 0 : index
    %get3A_72 = vector.load %arg10[%get3A_70, %get3A_71] : memref<1x512xf32, #tpu.memory_space<vmem>>, vector<1x512xf32>
    %add3A_73 = vector.broadcast %get3A_72 : vector<1x512xf32> to vector<10000x512xf32>
    %add3A_74 = arith.addf %dot_general3A_69, %add3A_73 : vector<10000x512xf32>
    %swap3A = arith.constant 0 : index
    %swap3A_75 = arith.constant 0 : index
    %swap3A_76 = vector.load %arg16[%swap3A, %swap3A_75] : memref<10000x512xf32, #tpu.memory_space<vmem>>, vector<10000x512xf32>
    tpu.vector_store %arg16[%swap3A, %swap3A_75], %add3A_74 {strides = array<i32>} : memref<10000x512xf32, #tpu.memory_space<vmem>>, vector<10000x512xf32>,
    %get3A_77 = arith.constant 0 : index
    %get3A_78 = arith.constant 0 : index
    %get3A_79 = vector.load %arg9[%get3A_77, %get3A_78] : memref<128x512xf32, #tpu.memory_space<vmem>>, vector<128x512xf32>
    %broadcast_in_dim3A_80 = arith.constant 0.000000e+00 : f32
    %broadcast_in_dim3A_81 = vector.broadcast %broadcast_in_dim3A_80 : f32 to vector<1x128xf32>
    %scan3A = arith.constant 0 : i32
    %scan3A_82 = arith.constant 1250 : i32
    %scan3A_83 = arith.addi %scan3A, %scan3A_82 : i32
    %scan3A_84 = arith.constant 1 : i32
    %scan3A_85:2 = scf.for %scan3A_112 = %scan3A to %scan3A_83 step %scan3A_84 iter_args(%scan3A_113 = %broadcast_in_dim3A_81, %scan3A_114 = %broadcast_in_dim3A_81) -> (vector<1x128xf32>, vector<1x128xf32>)  : i32 {
      %mul3A_115 = arith.constant 8 : i32
      %mul3A_116 = arith.muli %scan3A_112, %mul3A_115 : i32
      %multiple_of3A = tpu.assume_multiple %mul3A_116, 8 : i32
      %add3A_117 = arith.constant 0 : i32
      %add3A_118 = arith.addi %multiple_of3A, %add3A_117 : i32
      %get3A_119 = arith.index_cast %add3A_118 : i32 to index
      %get3A_120 = arith.constant 0 : index
      %get3A_121 = vector.load %arg16[%get3A_119, %get3A_120] : memref<10000x512xf32, #tpu.memory_space<vmem>>, vector<1x512xf32>
      %dot_general3A_122 = arith.constant dense<0.000000e+00> : vector<1x512xf32>
      %dot_general3A_123 = tpu.matmul %scan3A_113, %get3A_79, %dot_general3A_122 {dimension_numbers = #tpu.dot_dimension_numbers<[1], [0], [0], [1], [0, 0, 1, 1], [], []>, transpose_lhs_hint = false} : vector<1x128xf32>, vector<128x512xf32>, vector<1x512xf32> -> vector<1x512xf32>
      %add3A_124 = arith.addf %get3A_121, %dot_general3A_123 : vector<1x512xf32>
      %slice3A = vector.extract_strided_slice %add3A_124 {offsets = [0, 0], sizes = [1, 128], strides = [1, 1]} : vector<1x512xf32> to vector<1x128xf32>
      %tanh3A = math.tanh %slice3A : vector<1x128xf32>
      %slice3A_125 = vector.extract_strided_slice %add3A_124 {offsets = [0, 128], sizes = [1, 128], strides = [1, 1]} : vector<1x512xf32> to vector<1x128xf32>
      %tanh3A_126 = math.tanh %slice3A_125 : vector<1x128xf32>
      %slice3A_127 = vector.extract_strided_slice %add3A_124 {offsets = [0, 256], sizes = [1, 128], strides = [1, 1]} : vector<1x512xf32> to vector<1x128xf32>
      %tanh3A_128 = math.tanh %slice3A_127 : vector<1x128xf32>
      %slice3A_129 = vector.extract_strided_slice %add3A_124 {offsets = [0, 384], sizes = [1, 128], strides = [1, 1]} : vector<1x512xf32> to vector<1x128xf32>
      %tanh3A_130 = math.tanh %slice3A_129 : vector<1x128xf32>
      %mul3A_131 = arith.constant 5.000000e-01 : f32
      %mul3A_132 = vector.broadcast %mul3A_131 : f32 to vector<1x128xf32>
      %mul3A_133 = arith.mulf %mul3A_132, %tanh3A_126 : vector<1x128xf32>
      %add3A_134 = arith.constant 5.000000e-01 : f32
      %add3A_135 = vector.broadcast %add3A_134 : f32 to vector<1x128xf32>
      %add3A_136 = arith.addf %mul3A_133, %add3A_135 : vector<1x128xf32>
      %mul3A_137 = arith.mulf %add3A_136, %scan3A_114 : vector<1x128xf32>
      %mul3A_138 = arith.constant 5.000000e-01 : f32
      %mul3A_139 = vector.broadcast %mul3A_138 : f32 to vector<1x128xf32>
      %mul3A_140 = arith.mulf %mul3A_139, %tanh3A : vector<1x128xf32>
      %add3A_141 = arith.constant 5.000000e-01 : f32
      %add3A_142 = vector.broadcast %add3A_141 : f32 to vector<1x128xf32>
      %add3A_143 = arith.addf %mul3A_140, %add3A_142 : vector<1x128xf32>
      %mul3A_144 = arith.mulf %add3A_143, %tanh3A_128 : vector<1x128xf32>
      %add3A_145 = arith.addf %mul3A_137, %mul3A_144 : vector<1x128xf32>
      %mul3A_146 = arith.constant 5.000000e-01 : f32
      %mul3A_147 = vector.broadcast %mul3A_146 : f32 to vector<1x128xf32>
      %mul3A_148 = arith.mulf %mul3A_147, %tanh3A_130 : vector<1x128xf32>
      %add3A_149 = arith.constant 5.000000e-01 : f32
      %add3A_150 = vector.broadcast %add3A_149 : f32 to vector<1x128xf32>
      %add3A_151 = arith.addf %mul3A_148, %add3A_150 : vector<1x128xf32>
      %tanh3A_152 = math.tanh %add3A_145 : vector<1x128xf32>
      %mul3A_153 = arith.mulf %add3A_151, %tanh3A_152 : vector<1x128xf32>
      %add3A_154 = arith.constant 0 : i32
      %add3A_155 = arith.addi %multiple_of3A, %add3A_154 : i32
      %swap3A_156 = arith.index_cast %add3A_155 : i32 to index
      %swap3A_157 = arith.constant 0 : index
      %swap3A_158 = vector.load %arg17[%swap3A_156, %swap3A_157] : memref<10000x128xf32, #tpu.memory_space<vmem>>, vector<1x128xf32>
      tpu.vector_store %arg17[%swap3A_156, %swap3A_157], %mul3A_153 {strides = array<i32>} : memref<10000x128xf32, #tpu.memory_space<vmem>>, vector<1x128xf32>,
      %add3A_159 = arith.constant 1 : i32
      %add3A_160 = arith.addi %multiple_of3A, %add3A_159 : i32
      %get3A_161 = arith.index_cast %add3A_160 : i32 to index
      %get3A_162 = arith.constant 0 : index
      %get3A_163 = vector.load %arg16[%get3A_161, %get3A_162] : memref<10000x512xf32, #tpu.memory_space<vmem>>, vector<1x512xf32>
      %dot_general3A_164 = arith.constant dense<0.000000e+00> : vector<1x512xf32>
      %dot_general3A_165 = tpu.matmul %mul3A_153, %get3A_79, %dot_general3A_164 {dimension_numbers = #tpu.dot_dimension_numbers<[1], [0], [0], [1], [0, 0, 1, 1], [], []>, transpose_lhs_hint = false} : vector<1x128xf32>, vector<128x512xf32>, vector<1x512xf32> -> vector<1x512xf32>
      %add3A_166 = arith.addf %get3A_163, %dot_general3A_165 : vector<1x512xf32>
      %slice3A_167 = vector.extract_strided_slice %add3A_166 {offsets = [0, 0], sizes = [1, 128], strides = [1, 1]} : vector<1x512xf32> to vector<1x128xf32>
      %tanh3A_168 = math.tanh %slice3A_167 : vector<1x128xf32>
      %slice3A_169 = vector.extract_strided_slice %add3A_166 {offsets = [0, 128], sizes = [1, 128], strides = [1, 1]} : vector<1x512xf32> to vector<1x128xf32>
      %tanh3A_170 = math.tanh %slice3A_169 : vector<1x128xf32>
      %slice3A_171 = vector.extract_strided_slice %add3A_166 {offsets = [0, 256], sizes = [1, 128], strides = [1, 1]} : vector<1x512xf32> to vector<1x128xf32>
      %tanh3A_172 = math.tanh %slice3A_171 : vector<1x128xf32>
      %slice3A_173 = vector.extract_strided_slice %add3A_166 {offsets = [0, 384], sizes = [1, 128], strides = [1, 1]} : vector<1x512xf32> to vector<1x128xf32>
      %tanh3A_174 = math.tanh %slice3A_173 : vector<1x128xf32>
      %mul3A_175 = arith.constant 5.000000e-01 : f32
      %mul3A_176 = vector.broadcast %mul3A_175 : f32 to vector<1x128xf32>
      %mul3A_177 = arith.mulf %mul3A_176, %tanh3A_170 : vector<1x128xf32>
      %add3A_178 = arith.constant 5.000000e-01 : f32
      %add3A_179 = vector.broadcast %add3A_178 : f32 to vector<1x128xf32>
      %add3A_180 = arith.addf %mul3A_177, %add3A_179 : vector<1x128xf32>
      %mul3A_181 = arith.mulf %add3A_180, %add3A_145 : vector<1x128xf32>
      %mul3A_182 = arith.constant 5.000000e-01 : f32
      %mul3A_183 = vector.broadcast %mul3A_182 : f32 to vector<1x128xf32>
      %mul3A_184 = arith.mulf %mul3A_183, %tanh3A_168 : vector<1x128xf32>
      %add3A_185 = arith.constant 5.000000e-01 : f32
      %add3A_186 = vector.broadcast %add3A_185 : f32 to vector<1x128xf32>
      %add3A_187 = arith.addf %mul3A_184, %add3A_186 : vector<1x128xf32>
      %mul3A_188 = arith.mulf %add3A_187, %tanh3A_172 : vector<1x128xf32>
      %add3A_189 = arith.addf %mul3A_181, %mul3A_188 : vector<1x128xf32>
      %mul3A_190 = arith.constant 5.000000e-01 : f32
      %mul3A_191 = vector.broadcast %mul3A_190 : f32 to vector<1x128xf32>
      %mul3A_192 = arith.mulf %mul3A_191, %tanh3A_174 : vector<1x128xf32>
      %add3A_193 = arith.constant 5.000000e-01 : f32
      %add3A_194 = vector.broadcast %add3A_193 : f32 to vector<1x128xf32>
      %add3A_195 = arith.addf %mul3A_192, %add3A_194 : vector<1x128xf32>
      %tanh3A_196 = math.tanh %add3A_189 : vector<1x128xf32>
      %mul3A_197 = arith.mulf %add3A_195, %tanh3A_196 : vector<1x128xf32>
      %add3A_198 = arith.constant 1 : i32
      %add3A_199 = arith.addi %multiple_of3A, %add3A_198 : i32
      %swap3A_200 = arith.index_cast %add3A_199 : i32 to index
      %swap3A_201 = arith.constant 0 : index
      %swap3A_202 = vector.load %arg17[%swap3A_200, %swap3A_201] : memref<10000x128xf32, #tpu.memory_space<vmem>>, vector<1x128xf32>
      tpu.vector_store %arg17[%swap3A_200, %swap3A_201], %mul3A_197 {strides = array<i32>} : memref<10000x128xf32, #tpu.memory_space<vmem>>, vector<1x128xf32>,
      %add3A_203 = arith.constant 2 : i32
      %add3A_204 = arith.addi %multiple_of3A, %add3A_203 : i32
      %get3A_205 = arith.index_cast %add3A_204 : i32 to index
      %get3A_206 = arith.constant 0 : index
      %get3A_207 = vector.load %arg16[%get3A_205, %get3A_206] : memref<10000x512xf32, #tpu.memory_space<vmem>>, vector<1x512xf32>
      %dot_general3A_208 = arith.constant dense<0.000000e+00> : vector<1x512xf32>
      %dot_general3A_209 = tpu.matmul %mul3A_197, %get3A_79, %dot_general3A_208 {dimension_numbers = #tpu.dot_dimension_numbers<[1], [0], [0], [1], [0, 0, 1, 1], [], []>, transpose_lhs_hint = false} : vector<1x128xf32>, vector<128x512xf32>, vector<1x512xf32> -> vector<1x512xf32>
      %add3A_210 = arith.addf %get3A_207, %dot_general3A_209 : vector<1x512xf32>
      %slice3A_211 = vector.extract_strided_slice %add3A_210 {offsets = [0, 0], sizes = [1, 128], strides = [1, 1]} : vector<1x512xf32> to vector<1x128xf32>
      %tanh3A_212 = math.tanh %slice3A_211 : vector<1x128xf32>
      %slice3A_213 = vector.extract_strided_slice %add3A_210 {offsets = [0, 128], sizes = [1, 128], strides = [1, 1]} : vector<1x512xf32> to vector<1x128xf32>
      %tanh3A_214 = math.tanh %slice3A_213 : vector<1x128xf32>
      %slice3A_215 = vector.extract_strided_slice %add3A_210 {offsets = [0, 256], sizes = [1, 128], strides = [1, 1]} : vector<1x512xf32> to vector<1x128xf32>
      %tanh3A_216 = math.tanh %slice3A_215 : vector<1x128xf32>
      %slice3A_217 = vector.extract_strided_slice %add3A_210 {offsets = [0, 384], sizes = [1, 128], strides = [1, 1]} : vector<1x512xf32> to vector<1x128xf32>
      %tanh3A_218 = math.tanh %slice3A_217 : vector<1x128xf32>
      %mul3A_219 = arith.constant 5.000000e-01 : f32
      %mul3A_220 = vector.broadcast %mul3A_219 : f32 to vector<1x128xf32>
      %mul3A_221 = arith.mulf %mul3A_220, %tanh3A_214 : vector<1x128xf32>
      %add3A_222 = arith.constant 5.000000e-01 : f32
      %add3A_223 = vector.broadcast %add3A_222 : f32 to vector<1x128xf32>
      %add3A_224 = arith.addf %mul3A_221, %add3A_223 : vector<1x128xf32>
      %mul3A_225 = arith.mulf %add3A_224, %add3A_189 : vector<1x128xf32>
      %mul3A_226 = arith.constant 5.000000e-01 : f32
      %mul3A_227 = vector.broadcast %mul3A_226 : f32 to vector<1x128xf32>
      %mul3A_228 = arith.mulf %mul3A_227, %tanh3A_212 : vector<1x128xf32>
      %add3A_229 = arith.constant 5.000000e-01 : f32
      %add3A_230 = vector.broadcast %add3A_229 : f32 to vector<1x128xf32>
      %add3A_231 = arith.addf %mul3A_228, %add3A_230 : vector<1x128xf32>
      %mul3A_232 = arith.mulf %add3A_231, %tanh3A_216 : vector<1x128xf32>
      %add3A_233 = arith.addf %mul3A_225, %mul3A_232 : vector<1x128xf32>
      %mul3A_234 = arith.constant 5.000000e-01 : f32
      %mul3A_235 = vector.broadcast %mul3A_234 : f32 to vector<1x128xf32>
      %mul3A_236 = arith.mulf %mul3A_235, %tanh3A_218 : vector<1x128xf32>
      %add3A_237 = arith.constant 5.000000e-01 : f32
      %add3A_238 = vector.broadcast %add3A_237 : f32 to vector<1x128xf32>
      %add3A_239 = arith.addf %mul3A_236, %add3A_238 : vector<1x128xf32>
      %tanh3A_240 = math.tanh %add3A_233 : vector<1x128xf32>
      %mul3A_241 = arith.mulf %add3A_239, %tanh3A_240 : vector<1x128xf32>
      %add3A_242 = arith.constant 2 : i32
      %add3A_243 = arith.addi %multiple_of3A, %add3A_242 : i32
      %swap3A_244 = arith.index_cast %add3A_243 : i32 to index
      %swap3A_245 = arith.constant 0 : index
      %swap3A_246 = vector.load %arg17[%swap3A_244, %swap3A_245] : memref<10000x128xf32, #tpu.memory_space<vmem>>, vector<1x128xf32>
      tpu.vector_store %arg17[%swap3A_244, %swap3A_245], %mul3A_241 {strides = array<i32>} : memref<10000x128xf32, #tpu.memory_space<vmem>>, vector<1x128xf32>,
      %add3A_247 = arith.constant 3 : i32
      %add3A_248 = arith.addi %multiple_of3A, %add3A_247 : i32
      %get3A_249 = arith.index_cast %add3A_248 : i32 to index
      %get3A_250 = arith.constant 0 : index
      %get3A_251 = vector.load %arg16[%get3A_249, %get3A_250] : memref<10000x512xf32, #tpu.memory_space<vmem>>, vector<1x512xf32>
      %dot_general3A_252 = arith.constant dense<0.000000e+00> : vector<1x512xf32>
      %dot_general3A_253 = tpu.matmul %mul3A_241, %get3A_79, %dot_general3A_252 {dimension_numbers = #tpu.dot_dimension_numbers<[1], [0], [0], [1], [0, 0, 1, 1], [], []>, transpose_lhs_hint = false} : vector<1x128xf32>, vector<128x512xf32>, vector<1x512xf32> -> vector<1x512xf32>
      %add3A_254 = arith.addf %get3A_251, %dot_general3A_253 : vector<1x512xf32>
      %slice3A_255 = vector.extract_strided_slice %add3A_254 {offsets = [0, 0], sizes = [1, 128], strides = [1, 1]} : vector<1x512xf32> to vector<1x128xf32>
      %tanh3A_256 = math.tanh %slice3A_255 : vector<1x128xf32>
      %slice3A_257 = vector.extract_strided_slice %add3A_254 {offsets = [0, 128], sizes = [1, 128], strides = [1, 1]} : vector<1x512xf32> to vector<1x128xf32>
      %tanh3A_258 = math.tanh %slice3A_257 : vector<1x128xf32>
      %slice3A_259 = vector.extract_strided_slice %add3A_254 {offsets = [0, 256], sizes = [1, 128], strides = [1, 1]} : vector<1x512xf32> to vector<1x128xf32>
      %tanh3A_260 = math.tanh %slice3A_259 : vector<1x128xf32>
      %slice3A_261 = vector.extract_strided_slice %add3A_254 {offsets = [0, 384], sizes = [1, 128], strides = [1, 1]} : vector<1x512xf32> to vector<1x128xf32>
      %tanh3A_262 = math.tanh %slice3A_261 : vector<1x128xf32>
      %mul3A_263 = arith.constant 5.000000e-01 : f32
      %mul3A_264 = vector.broadcast %mul3A_263 : f32 to vector<1x128xf32>
      %mul3A_265 = arith.mulf %mul3A_264, %tanh3A_258 : vector<1x128xf32>
      %add3A_266 = arith.constant 5.000000e-01 : f32
      %add3A_267 = vector.broadcast %add3A_266 : f32 to vector<1x128xf32>
      %add3A_268 = arith.addf %mul3A_265, %add3A_267 : vector<1x128xf32>
      %mul3A_269 = arith.mulf %add3A_268, %add3A_233 : vector<1x128xf32>
      %mul3A_270 = arith.constant 5.000000e-01 : f32
      %mul3A_271 = vector.broadcast %mul3A_270 : f32 to vector<1x128xf32>
      %mul3A_272 = arith.mulf %mul3A_271, %tanh3A_256 : vector<1x128xf32>
      %add3A_273 = arith.constant 5.000000e-01 : f32
      %add3A_274 = vector.broadcast %add3A_273 : f32 to vector<1x128xf32>
      %add3A_275 = arith.addf %mul3A_272, %add3A_274 : vector<1x128xf32>
      %mul3A_276 = arith.mulf %add3A_275, %tanh3A_260 : vector<1x128xf32>
      %add3A_277 = arith.addf %mul3A_269, %mul3A_276 : vector<1x128xf32>
      %mul3A_278 = arith.constant 5.000000e-01 : f32
      %mul3A_279 = vector.broadcast %mul3A_278 : f32 to vector<1x128xf32>
      %mul3A_280 = arith.mulf %mul3A_279, %tanh3A_262 : vector<1x128xf32>
      %add3A_281 = arith.constant 5.000000e-01 : f32
      %add3A_282 = vector.broadcast %add3A_281 : f32 to vector<1x128xf32>
      %add3A_283 = arith.addf %mul3A_280, %add3A_282 : vector<1x128xf32>
      %tanh3A_284 = math.tanh %add3A_277 : vector<1x128xf32>
      %mul3A_285 = arith.mulf %add3A_283, %tanh3A_284 : vector<1x128xf32>
      %add3A_286 = arith.constant 3 : i32
      %add3A_287 = arith.addi %multiple_of3A, %add3A_286 : i32
      %swap3A_288 = arith.index_cast %add3A_287 : i32 to index
      %swap3A_289 = arith.constant 0 : index
      %swap3A_290 = vector.load %arg17[%swap3A_288, %swap3A_289] : memref<10000x128xf32, #tpu.memory_space<vmem>>, vector<1x128xf32>
      tpu.vector_store %arg17[%swap3A_288, %swap3A_289], %mul3A_285 {strides = array<i32>} : memref<10000x128xf32, #tpu.memory_space<vmem>>, vector<1x128xf32>,
      %add3A_291 = arith.constant 4 : i32
      %add3A_292 = arith.addi %multiple_of3A, %add3A_291 : i32
      %get3A_293 = arith.index_cast %add3A_292 : i32 to index
      %get3A_294 = arith.constant 0 : index
      %get3A_295 = vector.load %arg16[%get3A_293, %get3A_294] : memref<10000x512xf32, #tpu.memory_space<vmem>>, vector<1x512xf32>
      %dot_general3A_296 = arith.constant dense<0.000000e+00> : vector<1x512xf32>
      %dot_general3A_297 = tpu.matmul %mul3A_285, %get3A_79, %dot_general3A_296 {dimension_numbers = #tpu.dot_dimension_numbers<[1], [0], [0], [1], [0, 0, 1, 1], [], []>, transpose_lhs_hint = false} : vector<1x128xf32>, vector<128x512xf32>, vector<1x512xf32> -> vector<1x512xf32>
      %add3A_298 = arith.addf %get3A_295, %dot_general3A_297 : vector<1x512xf32>
      %slice3A_299 = vector.extract_strided_slice %add3A_298 {offsets = [0, 0], sizes = [1, 128], strides = [1, 1]} : vector<1x512xf32> to vector<1x128xf32>
      %tanh3A_300 = math.tanh %slice3A_299 : vector<1x128xf32>
      %slice3A_301 = vector.extract_strided_slice %add3A_298 {offsets = [0, 128], sizes = [1, 128], strides = [1, 1]} : vector<1x512xf32> to vector<1x128xf32>
      %tanh3A_302 = math.tanh %slice3A_301 : vector<1x128xf32>
      %slice3A_303 = vector.extract_strided_slice %add3A_298 {offsets = [0, 256], sizes = [1, 128], strides = [1, 1]} : vector<1x512xf32> to vector<1x128xf32>
      %tanh3A_304 = math.tanh %slice3A_303 : vector<1x128xf32>
      %slice3A_305 = vector.extract_strided_slice %add3A_298 {offsets = [0, 384], sizes = [1, 128], strides = [1, 1]} : vector<1x512xf32> to vector<1x128xf32>
      %tanh3A_306 = math.tanh %slice3A_305 : vector<1x128xf32>
      %mul3A_307 = arith.constant 5.000000e-01 : f32
      %mul3A_308 = vector.broadcast %mul3A_307 : f32 to vector<1x128xf32>
      %mul3A_309 = arith.mulf %mul3A_308, %tanh3A_302 : vector<1x128xf32>
      %add3A_310 = arith.constant 5.000000e-01 : f32
      %add3A_311 = vector.broadcast %add3A_310 : f32 to vector<1x128xf32>
      %add3A_312 = arith.addf %mul3A_309, %add3A_311 : vector<1x128xf32>
      %mul3A_313 = arith.mulf %add3A_312, %add3A_277 : vector<1x128xf32>
      %mul3A_314 = arith.constant 5.000000e-01 : f32
      %mul3A_315 = vector.broadcast %mul3A_314 : f32 to vector<1x128xf32>
      %mul3A_316 = arith.mulf %mul3A_315, %tanh3A_300 : vector<1x128xf32>
      %add3A_317 = arith.constant 5.000000e-01 : f32
      %add3A_318 = vector.broadcast %add3A_317 : f32 to vector<1x128xf32>
      %add3A_319 = arith.addf %mul3A_316, %add3A_318 : vector<1x128xf32>
      %mul3A_320 = arith.mulf %add3A_319, %tanh3A_304 : vector<1x128xf32>
      %add3A_321 = arith.addf %mul3A_313, %mul3A_320 : vector<1x128xf32>
      %mul3A_322 = arith.constant 5.000000e-01 : f32
      %mul3A_323 = vector.broadcast %mul3A_322 : f32 to vector<1x128xf32>
      %mul3A_324 = arith.mulf %mul3A_323, %tanh3A_306 : vector<1x128xf32>
      %add3A_325 = arith.constant 5.000000e-01 : f32
      %add3A_326 = vector.broadcast %add3A_325 : f32 to vector<1x128xf32>
      %add3A_327 = arith.addf %mul3A_324, %add3A_326 : vector<1x128xf32>
      %tanh3A_328 = math.tanh %add3A_321 : vector<1x128xf32>
      %mul3A_329 = arith.mulf %add3A_327, %tanh3A_328 : vector<1x128xf32>
      %add3A_330 = arith.constant 4 : i32
      %add3A_331 = arith.addi %multiple_of3A, %add3A_330 : i32
      %swap3A_332 = arith.index_cast %add3A_331 : i32 to index
      %swap3A_333 = arith.constant 0 : index
      %swap3A_334 = vector.load %arg17[%swap3A_332, %swap3A_333] : memref<10000x128xf32, #tpu.memory_space<vmem>>, vector<1x128xf32>
      tpu.vector_store %arg17[%swap3A_332, %swap3A_333], %mul3A_329 {strides = array<i32>} : memref<10000x128xf32, #tpu.memory_space<vmem>>, vector<1x128xf32>,
      %add3A_335 = arith.constant 5 : i32
      %add3A_336 = arith.addi %multiple_of3A, %add3A_335 : i32
      %get3A_337 = arith.index_cast %add3A_336 : i32 to index
      %get3A_338 = arith.constant 0 : index
      %get3A_339 = vector.load %arg16[%get3A_337, %get3A_338] : memref<10000x512xf32, #tpu.memory_space<vmem>>, vector<1x512xf32>
      %dot_general3A_340 = arith.constant dense<0.000000e+00> : vector<1x512xf32>
      %dot_general3A_341 = tpu.matmul %mul3A_329, %get3A_79, %dot_general3A_340 {dimension_numbers = #tpu.dot_dimension_numbers<[1], [0], [0], [1], [0, 0, 1, 1], [], []>, transpose_lhs_hint = false} : vector<1x128xf32>, vector<128x512xf32>, vector<1x512xf32> -> vector<1x512xf32>
      %add3A_342 = arith.addf %get3A_339, %dot_general3A_341 : vector<1x512xf32>
      %slice3A_343 = vector.extract_strided_slice %add3A_342 {offsets = [0, 0], sizes = [1, 128], strides = [1, 1]} : vector<1x512xf32> to vector<1x128xf32>
      %tanh3A_344 = math.tanh %slice3A_343 : vector<1x128xf32>
      %slice3A_345 = vector.extract_strided_slice %add3A_342 {offsets = [0, 128], sizes = [1, 128], strides = [1, 1]} : vector<1x512xf32> to vector<1x128xf32>
      %tanh3A_346 = math.tanh %slice3A_345 : vector<1x128xf32>
      %slice3A_347 = vector.extract_strided_slice %add3A_342 {offsets = [0, 256], sizes = [1, 128], strides = [1, 1]} : vector<1x512xf32> to vector<1x128xf32>
      %tanh3A_348 = math.tanh %slice3A_347 : vector<1x128xf32>
      %slice3A_349 = vector.extract_strided_slice %add3A_342 {offsets = [0, 384], sizes = [1, 128], strides = [1, 1]} : vector<1x512xf32> to vector<1x128xf32>
      %tanh3A_350 = math.tanh %slice3A_349 : vector<1x128xf32>
      %mul3A_351 = arith.constant 5.000000e-01 : f32
      %mul3A_352 = vector.broadcast %mul3A_351 : f32 to vector<1x128xf32>
      %mul3A_353 = arith.mulf %mul3A_352, %tanh3A_346 : vector<1x128xf32>
      %add3A_354 = arith.constant 5.000000e-01 : f32
      %add3A_355 = vector.broadcast %add3A_354 : f32 to vector<1x128xf32>
      %add3A_356 = arith.addf %mul3A_353, %add3A_355 : vector<1x128xf32>
      %mul3A_357 = arith.mulf %add3A_356, %add3A_321 : vector<1x128xf32>
      %mul3A_358 = arith.constant 5.000000e-01 : f32
      %mul3A_359 = vector.broadcast %mul3A_358 : f32 to vector<1x128xf32>
      %mul3A_360 = arith.mulf %mul3A_359, %tanh3A_344 : vector<1x128xf32>
      %add3A_361 = arith.constant 5.000000e-01 : f32
      %add3A_362 = vector.broadcast %add3A_361 : f32 to vector<1x128xf32>
      %add3A_363 = arith.addf %mul3A_360, %add3A_362 : vector<1x128xf32>
      %mul3A_364 = arith.mulf %add3A_363, %tanh3A_348 : vector<1x128xf32>
      %add3A_365 = arith.addf %mul3A_357, %mul3A_364 : vector<1x128xf32>
      %mul3A_366 = arith.constant 5.000000e-01 : f32
      %mul3A_367 = vector.broadcast %mul3A_366 : f32 to vector<1x128xf32>
      %mul3A_368 = arith.mulf %mul3A_367, %tanh3A_350 : vector<1x128xf32>
      %add3A_369 = arith.constant 5.000000e-01 : f32
      %add3A_370 = vector.broadcast %add3A_369 : f32 to vector<1x128xf32>
      %add3A_371 = arith.addf %mul3A_368, %add3A_370 : vector<1x128xf32>
      %tanh3A_372 = math.tanh %add3A_365 : vector<1x128xf32>
      %mul3A_373 = arith.mulf %add3A_371, %tanh3A_372 : vector<1x128xf32>
      %add3A_374 = arith.constant 5 : i32
      %add3A_375 = arith.addi %multiple_of3A, %add3A_374 : i32
      %swap3A_376 = arith.index_cast %add3A_375 : i32 to index
      %swap3A_377 = arith.constant 0 : index
      %swap3A_378 = vector.load %arg17[%swap3A_376, %swap3A_377] : memref<10000x128xf32, #tpu.memory_space<vmem>>, vector<1x128xf32>
      tpu.vector_store %arg17[%swap3A_376, %swap3A_377], %mul3A_373 {strides = array<i32>} : memref<10000x128xf32, #tpu.memory_space<vmem>>, vector<1x128xf32>,
      %add3A_379 = arith.constant 6 : i32
      %add3A_380 = arith.addi %multiple_of3A, %add3A_379 : i32
      %get3A_381 = arith.index_cast %add3A_380 : i32 to index
      %get3A_382 = arith.constant 0 : index
      %get3A_383 = vector.load %arg16[%get3A_381, %get3A_382] : memref<10000x512xf32, #tpu.memory_space<vmem>>, vector<1x512xf32>
      %dot_general3A_384 = arith.constant dense<0.000000e+00> : vector<1x512xf32>
      %dot_general3A_385 = tpu.matmul %mul3A_373, %get3A_79, %dot_general3A_384 {dimension_numbers = #tpu.dot_dimension_numbers<[1], [0], [0], [1], [0, 0, 1, 1], [], []>, transpose_lhs_hint = false} : vector<1x128xf32>, vector<128x512xf32>, vector<1x512xf32> -> vector<1x512xf32>
      %add3A_386 = arith.addf %get3A_383, %dot_general3A_385 : vector<1x512xf32>
      %slice3A_387 = vector.extract_strided_slice %add3A_386 {offsets = [0, 0], sizes = [1, 128], strides = [1, 1]} : vector<1x512xf32> to vector<1x128xf32>
      %tanh3A_388 = math.tanh %slice3A_387 : vector<1x128xf32>
      %slice3A_389 = vector.extract_strided_slice %add3A_386 {offsets = [0, 128], sizes = [1, 128], strides = [1, 1]} : vector<1x512xf32> to vector<1x128xf32>
      %tanh3A_390 = math.tanh %slice3A_389 : vector<1x128xf32>
      %slice3A_391 = vector.extract_strided_slice %add3A_386 {offsets = [0, 256], sizes = [1, 128], strides = [1, 1]} : vector<1x512xf32> to vector<1x128xf32>
      %tanh3A_392 = math.tanh %slice3A_391 : vector<1x128xf32>
      %slice3A_393 = vector.extract_strided_slice %add3A_386 {offsets = [0, 384], sizes = [1, 128], strides = [1, 1]} : vector<1x512xf32> to vector<1x128xf32>
      %tanh3A_394 = math.tanh %slice3A_393 : vector<1x128xf32>
      %mul3A_395 = arith.constant 5.000000e-01 : f32
      %mul3A_396 = vector.broadcast %mul3A_395 : f32 to vector<1x128xf32>
      %mul3A_397 = arith.mulf %mul3A_396, %tanh3A_390 : vector<1x128xf32>
      %add3A_398 = arith.constant 5.000000e-01 : f32
      %add3A_399 = vector.broadcast %add3A_398 : f32 to vector<1x128xf32>
      %add3A_400 = arith.addf %mul3A_397, %add3A_399 : vector<1x128xf32>
      %mul3A_401 = arith.mulf %add3A_400, %add3A_365 : vector<1x128xf32>
      %mul3A_402 = arith.constant 5.000000e-01 : f32
      %mul3A_403 = vector.broadcast %mul3A_402 : f32 to vector<1x128xf32>
      %mul3A_404 = arith.mulf %mul3A_403, %tanh3A_388 : vector<1x128xf32>
      %add3A_405 = arith.constant 5.000000e-01 : f32
      %add3A_406 = vector.broadcast %add3A_405 : f32 to vector<1x128xf32>
      %add3A_407 = arith.addf %mul3A_404, %add3A_406 : vector<1x128xf32>
      %mul3A_408 = arith.mulf %add3A_407, %tanh3A_392 : vector<1x128xf32>
      %add3A_409 = arith.addf %mul3A_401, %mul3A_408 : vector<1x128xf32>
      %mul3A_410 = arith.constant 5.000000e-01 : f32
      %mul3A_411 = vector.broadcast %mul3A_410 : f32 to vector<1x128xf32>
      %mul3A_412 = arith.mulf %mul3A_411, %tanh3A_394 : vector<1x128xf32>
      %add3A_413 = arith.constant 5.000000e-01 : f32
      %add3A_414 = vector.broadcast %add3A_413 : f32 to vector<1x128xf32>
      %add3A_415 = arith.addf %mul3A_412, %add3A_414 : vector<1x128xf32>
      %tanh3A_416 = math.tanh %add3A_409 : vector<1x128xf32>
      %mul3A_417 = arith.mulf %add3A_415, %tanh3A_416 : vector<1x128xf32>
      %add3A_418 = arith.constant 6 : i32
      %add3A_419 = arith.addi %multiple_of3A, %add3A_418 : i32
      %swap3A_420 = arith.index_cast %add3A_419 : i32 to index
      %swap3A_421 = arith.constant 0 : index
      %swap3A_422 = vector.load %arg17[%swap3A_420, %swap3A_421] : memref<10000x128xf32, #tpu.memory_space<vmem>>, vector<1x128xf32>
      tpu.vector_store %arg17[%swap3A_420, %swap3A_421], %mul3A_417 {strides = array<i32>} : memref<10000x128xf32, #tpu.memory_space<vmem>>, vector<1x128xf32>,
      %add3A_423 = arith.constant 7 : i32
      %add3A_424 = arith.addi %multiple_of3A, %add3A_423 : i32
      %get3A_425 = arith.index_cast %add3A_424 : i32 to index
      %get3A_426 = arith.constant 0 : index
      %get3A_427 = vector.load %arg16[%get3A_425, %get3A_426] : memref<10000x512xf32, #tpu.memory_space<vmem>>, vector<1x512xf32>
      %dot_general3A_428 = arith.constant dense<0.000000e+00> : vector<1x512xf32>
      %dot_general3A_429 = tpu.matmul %mul3A_417, %get3A_79, %dot_general3A_428 {dimension_numbers = #tpu.dot_dimension_numbers<[1], [0], [0], [1], [0, 0, 1, 1], [], []>, transpose_lhs_hint = false} : vector<1x128xf32>, vector<128x512xf32>, vector<1x512xf32> -> vector<1x512xf32>
      %add3A_430 = arith.addf %get3A_427, %dot_general3A_429 : vector<1x512xf32>
      %slice3A_431 = vector.extract_strided_slice %add3A_430 {offsets = [0, 0], sizes = [1, 128], strides = [1, 1]} : vector<1x512xf32> to vector<1x128xf32>
      %tanh3A_432 = math.tanh %slice3A_431 : vector<1x128xf32>
      %slice3A_433 = vector.extract_strided_slice %add3A_430 {offsets = [0, 128], sizes = [1, 128], strides = [1, 1]} : vector<1x512xf32> to vector<1x128xf32>
      %tanh3A_434 = math.tanh %slice3A_433 : vector<1x128xf32>
      %slice3A_435 = vector.extract_strided_slice %add3A_430 {offsets = [0, 256], sizes = [1, 128], strides = [1, 1]} : vector<1x512xf32> to vector<1x128xf32>
      %tanh3A_436 = math.tanh %slice3A_435 : vector<1x128xf32>
      %slice3A_437 = vector.extract_strided_slice %add3A_430 {offsets = [0, 384], sizes = [1, 128], strides = [1, 1]} : vector<1x512xf32> to vector<1x128xf32>
      %tanh3A_438 = math.tanh %slice3A_437 : vector<1x128xf32>
      %mul3A_439 = arith.constant 5.000000e-01 : f32
      %mul3A_440 = vector.broadcast %mul3A_439 : f32 to vector<1x128xf32>
      %mul3A_441 = arith.mulf %mul3A_440, %tanh3A_434 : vector<1x128xf32>
      %add3A_442 = arith.constant 5.000000e-01 : f32
      %add3A_443 = vector.broadcast %add3A_442 : f32 to vector<1x128xf32>
      %add3A_444 = arith.addf %mul3A_441, %add3A_443 : vector<1x128xf32>
      %mul3A_445 = arith.mulf %add3A_444, %add3A_409 : vector<1x128xf32>
      %mul3A_446 = arith.constant 5.000000e-01 : f32
      %mul3A_447 = vector.broadcast %mul3A_446 : f32 to vector<1x128xf32>
      %mul3A_448 = arith.mulf %mul3A_447, %tanh3A_432 : vector<1x128xf32>
      %add3A_449 = arith.constant 5.000000e-01 : f32
      %add3A_450 = vector.broadcast %add3A_449 : f32 to vector<1x128xf32>
      %add3A_451 = arith.addf %mul3A_448, %add3A_450 : vector<1x128xf32>
      %mul3A_452 = arith.mulf %add3A_451, %tanh3A_436 : vector<1x128xf32>
      %add3A_453 = arith.addf %mul3A_445, %mul3A_452 : vector<1x128xf32>
      %mul3A_454 = arith.constant 5.000000e-01 : f32
      %mul3A_455 = vector.broadcast %mul3A_454 : f32 to vector<1x128xf32>
      %mul3A_456 = arith.mulf %mul3A_455, %tanh3A_438 : vector<1x128xf32>
      %add3A_457 = arith.constant 5.000000e-01 : f32
      %add3A_458 = vector.broadcast %add3A_457 : f32 to vector<1x128xf32>
      %add3A_459 = arith.addf %mul3A_456, %add3A_458 : vector<1x128xf32>
      %tanh3A_460 = math.tanh %add3A_453 : vector<1x128xf32>
      %mul3A_461 = arith.mulf %add3A_459, %tanh3A_460 : vector<1x128xf32>
      %add3A_462 = arith.constant 7 : i32
      %add3A_463 = arith.addi %multiple_of3A, %add3A_462 : i32
      %swap3A_464 = arith.index_cast %add3A_463 : i32 to index
      %swap3A_465 = arith.constant 0 : index
      %swap3A_466 = vector.load %arg17[%swap3A_464, %swap3A_465] : memref<10000x128xf32, #tpu.memory_space<vmem>>, vector<1x128xf32>
      tpu.vector_store %arg17[%swap3A_464, %swap3A_465], %mul3A_461 {strides = array<i32>} : memref<10000x128xf32, #tpu.memory_space<vmem>>, vector<1x128xf32>,
      scf.yield %mul3A_461, %add3A_453 : vector<1x128xf32>, vector<1x128xf32>
    }
    %scan3A_86 = arith.constant 1250 : i32
    %swap3A_87 = arith.constant 0 : index
    %swap3A_88 = arith.constant 0 : index
    %swap3A_89 = vector.load %arg14[%swap3A_87, %swap3A_88] : memref<1x128xf32, #tpu.memory_space<vmem>>, vector<1x128xf32>
    tpu.vector_store %arg14[%swap3A_87, %swap3A_88], %scan3A_85#0 {strides = array<i32>} : memref<1x128xf32, #tpu.memory_space<vmem>>, vector<1x128xf32>,
    %swap3A_90 = arith.constant 0 : index
    %swap3A_91 = arith.constant 0 : index
    %swap3A_92 = vector.load %arg15[%swap3A_90, %swap3A_91] : memref<1x128xf32, #tpu.memory_space<vmem>>, vector<1x128xf32>
    tpu.vector_store %arg15[%swap3A_90, %swap3A_91], %scan3A_85#1 {strides = array<i32>} : memref<1x128xf32, #tpu.memory_space<vmem>>, vector<1x128xf32>,
    %get3A_93 = arith.constant 0 : index
    %get3A_94 = arith.constant 0 : index
    %get3A_95 = vector.load %arg17[%get3A_93, %get3A_94] : memref<10000x128xf32, #tpu.memory_space<vmem>>, vector<10000x128xf32>
    %get3A_96 = arith.constant 0 : index
    %get3A_97 = arith.constant 0 : index
    %get3A_98 = vector.load %arg11[%get3A_96, %get3A_97] : memref<1x128xf32, #tpu.memory_space<vmem>>, vector<1x128xf32>
    %mul3A_99 = vector.broadcast %get3A_98 : vector<1x128xf32> to vector<10000x128xf32>
    %mul3A_100 = arith.mulf %get3A_95, %mul3A_99 : vector<10000x128xf32>
    %reduce_sum3A_101 = arith.constant dense<0.000000e+00> : vector<10000xf32>
    %reduce_sum3A_102 = vector.multi_reduction <add>, %mul3A_100, %reduce_sum3A_101 [1] : vector<10000x128xf32> to vector<10000xf32>
    %broadcast_in_dim3A_103 = vector.shape_cast %reduce_sum3A_102 : vector<10000xf32> to vector<10000x1xf32>
    %get3A_104 = arith.constant 0 : index
    %get3A_105 = arith.constant 0 : index
    %get3A_106 = vector.load %arg12[%get3A_104, %get3A_105] : memref<1x1xf32, #tpu.memory_space<vmem>>, vector<1x1xf32>
    %add3A_107 = vector.broadcast %get3A_106 : vector<1x1xf32> to vector<10000x1xf32>
    %add3A_108 = arith.addf %broadcast_in_dim3A_103, %add3A_107 : vector<10000x1xf32>
    %swap3A_109 = arith.constant 0 : index
    %swap3A_110 = arith.constant 0 : index
    %swap3A_111 = vector.load %arg13[%swap3A_109, %swap3A_110] : memref<10000x1xf32, #tpu.memory_space<vmem>>, vector<10000x1xf32>
    tpu.vector_store %arg13[%swap3A_109, %swap3A_110], %add3A_108 {strides = array<i32>} : memref<10000x1xf32, #tpu.memory_space<vmem>>, vector<10000x1xf32>,
    return
  }
}

</mosaic_0001>

<sc_bundles>
// kernel: gather_offload_async_start.1
scs
__scs_entry_jumppad:
0x0: {  	(pc) =	sbr.rel $0x88, $3  }
0x1: {  	(tag) =	ssettag $0x0;
	lr =	simm.s32 $0x1  }
0x2: {  	[smem:$0x3F93] =	sst lr;
	_ =	strace $0xD0000000  }
0x3: {  	_ = 	snop  }
0x4: {  	_ = 	snop  }
0x5: {  	_ = 	snop  }
0x6: {  	_ = 	snop  }
0x7: {  	_ = 	snop  }
__scs_overlays_trampoline_lowered:
0x8: {  	[smem:$0x3FA2] =	sst s0  }
0x9: {  	[smem:$0x3FA3] =	sst s1  }
0xa: {  	[smem:$0x3FA4] =	sst s2  }
0xb: {  	[smem:$0x3FA5] =	sst s3  }
0xc: {  	[smem:$0x3FA6] =	sst s4  }
0xd: {  	[smem:$0x3FA7] =	sst s5  }
0xe: {  	[smem:$0x3FA8] =	sst s6  }
0xf: {  	[smem:$0x3FA9] =	sst s7  }
0x10: {  	[smem:$0x3FAA] =	sst s8  }
0x11: {  	[smem:$0x3FAB] =	sst s9;
	s0 =	simm.s32 @!p0 $0x0  }
0x12: {  	s1 =	sld [smem:$0x3F91];
	s0 =	simm.s32 @p0 $0x1  }
0x13: {  	[smem:$0x3FAC] =	sst s0;
	s0 =	simm.s32 @!p1 $0x0  }
0x14: {  	s2 =	sld [smem:$0x3F90];
	s0 =	simm.s32 @p1 $0x1  }
0x15: {  	[smem:$0x3FAD] =	sst s0;
	s0 =	simm.s32 @!p2 $0x0  }
0x16: {  	s3 =	sld [smem:$0x3FDB];
	s0 =	simm.s32 @p2 $0x1  }
0x17: {  	s4 =	simm.s32 $0x1BF5;
	[smem:$0x3FAF] =	sst s0  }
0x18: {  	s0 =	sld [smem:$0x3F92];
	_ =	swait.ge [sflag:s4], $0x0  }
0x19: {  	s7 =	sld [smem:$0x3F93]  }
0x1a: {  	s8 =	sadd.s32 $0xFFFFE003, lr  }
0x1b: {  	s9 =	sadd.s32 $0xFFFFFEF7, lr;
	s5 =	simm.s32 $0xFFFFFFFF;
	p2 =	slt.u32 s8, $0xFFFFF086  }
0x1c: {  	p1 =	slt.u32 s9, $0xF7A;
	s5 =	simm.s32 @!p2 $0x0  }
0x1d: {  	s5 =	simm.s32 @p1 $0x1;
	p0 =	seq.s32 s7, s2  }
0x1e: {  	s7 =	smul.u32 @!p0 $0xF7A, s2;
	p2 =	seq.s32 @!p0 s5, $0x0  }
0x1f: {  	s9 =	smul.u32 $0xF7A, s1;
	s8 =	simm.s32 @!p0 $0x1BF5;
	p2 =	por !p2, p0  }
0x20: {  	[sflag:s8] =	ssyncset.s32 @!p0 $0xFFFFF086;
	s6 =	sadd.s32 @!p0 s3, s7;
	s7 =	simm.s32 @!p0 $0x108  }
0x21: {  	s3 =	sadd.s32 s3, s9;
	s6 =	sadd.s32 @!p0 $0x88, s6;
	s7 =	simm.s32 @p2 $0x1082  }
0x22: {  	[simem:s7], [sflag:s8] =	dma.local @!p0 [hbm:s6], $0xF7A  }
0x23: {  	s9 =	sor.u32 $0xD0000000, s2;
	s6 =	simm.s32 $0x108;
	_ =	swait.ge @!p0 [sflag:s8], $0x0  }
0x24: {  	s3 =	sadd.s32 $0x88, s3;
	s6 =	simm.s32 @!p1 $0x1082;
	[sflag:s4] =	ssyncset.s32 $0xFFFFF086  }
0x25: {  	[simem:s6], [sflag:s4] =	dma.local [hbm:s3], $0xF7A  }
0x26: {  	[smem:$0x3F93] =	sst s1;
	(tag) =	ssettag s2;
	_ =	strace s9  }
0x27: {  	s1 =	sld [smem:$0x3FA3]  }
0x28: {  	s2 =	sld [smem:$0x3FA4]  }
0x29: {  	s4 =	sld [smem:$0x3FA6]  }
0x2a: {  	p0 =	seq.s32 s5, $0x0;
	s5 =	sld [smem:$0x3FA7]  }
0x2b: {  	s6 =	sld [smem:$0x3FA8]  }
0x2c: {  	s7 =	sld [smem:$0x3FA9]  }
0x2d: {  	s3 =	simm.s32 $0x108;
	s8 =	sld [smem:$0x3FAA]  }
0x2e: {  	s3 =	simm.s32 @!p0 $0x1082;
	s9 =	sld [smem:$0x3FAB]  }
0x2f: {  	lr =	sadd.s32 s0, s3;
	s0 =	sld [smem:$0x3FA2]  }
0x30: {  	s3 =	sld [smem:$0x3FA5]  }
0x31: {  	[smem:$0x3FAE] =	sst s10  }
0x32: {  	s10 =	sld [smem:$0x3FAC];
	_ =	sdelay $0x3  }
0x33: {  	p0 =	seq.s32 s10, $0x1;
	s10 =	sld [smem:$0x3FAE];
	_ =	sdelay $0x3  }
0x34: {  	[smem:$0x3FAE] =	sst s10  }
0x35: {  	s10 =	sld [smem:$0x3FAD];
	_ =	sdelay $0x3  }
0x36: {  	p1 =	seq.s32 s10, $0x1;
	s10 =	sld [smem:$0x3FAE];
	_ =	sdelay $0x3  }
0x37: {  	[smem:$0x3FAE] =	sst s10  }
0x38: {  	s10 =	sld [smem:$0x3FAF]  }
0x39: {  	_ = 	snop;
	(pc) =	sbr.ind lr, $3  }
0x3a: {  	_ = 	snop  }
0x3b: {  	_ = 	snop  }
0x3c: {  	p2 =	seq.s32 s10, $0x1;
	s10 =	sld [smem:$0x3FAE]  }
0x3d: {  	_ =	shalt  }
0x3e: {  	_ =	shalt  }
0x3f: {  	_ =	shalt  }
0x40: {  	_ =	shalt  }
0x41: {  	_ =	shalt  }
0x42: {  	_ =	shalt  }
0x43: {  	_ =	shalt  }
0x44: {  	_ =	shalt  }
0x45: {  	_ =	shalt  }
0x46: {  	_ =	shalt  }
0x47: {  	_ =	shalt  }
0x48: {  	_ =	shalt  }
0x49: {  	_ =	shalt  }
0x4a: {  	_ =	shalt  }
0x4b: {  	_ =	shalt  }
0x4c: {  	_ =	shalt  }
0x4d: {  	_ =	shalt  }
0x4e: {  	_ =	shalt  }
0x4f: {  	_ =	shalt  }
0x50: {  	_ =	shalt  }
0x51: {  	_ =	shalt  }
0x52: {  	_ =	shalt  }
0x53: {  	_ =	shalt  }
0x54: {  	_ =	shalt  }
0x55: {  	_ =	shalt  }
0x56: {  	_ =	shalt  }
0x57: {  	_ =	shalt  }
0x58: {  	_ =	shalt  }
0x59: {  	_ =	shalt  }
0x5a: {  	_ =	shalt  }
0x5b: {  	_ =	shalt  }
0x5c: {  	_ =	shalt  }
0x5d: {  	_ =	shalt  }
0x5e: {  	_ =	shalt  }
0x5f: {  	_ =	shalt  }
0x60: {  	_ =	shalt  }
0x61: {  	_ =	shalt  }
0x62: {  	_ =	shalt  }
0x63: {  	_ =	shalt  }
0x64: {  	_ =	shalt  }
0x65: {  	_ =	shalt  }
0x66: {  	_ =	shalt  }
0x67: {  	_ =	shalt  }
0x68: {  	_ =	shalt  }
0x69: {  	_ =	shalt  }
0x6a: {  	_ =	shalt  }
0x6b: {  	_ =	shalt  }
0x6c: {  	_ =	shalt  }
0x6d: {  	_ =	shalt  }
0x6e: {  	_ =	shalt  }
0x6f: {  	_ =	shalt  }
0x70: {  	_ =	shalt  }
0x71: {  	_ =	shalt  }
0x72: {  	_ =	shalt  }
0x73: {  	_ =	shalt  }
0x74: {  	_ =	shalt  }
0x75: {  	_ =	shalt  }
0x76: {  	_ =	shalt  }
0x77: {  	_ =	shalt  }
0x78: {  	_ =	shalt  }
0x79: {  	_ =	shalt  }
0x7a: {  	_ =	shalt  }
0x7b: {  	_ =	shalt  }
0x7c: {  	_ =	shalt  }
0x7d: {  	_ =	shalt  }
0x7e: {  	_ =	shalt  }
0x7f: {  	_ =	shalt  }
0x80: {  	_ =	shalt  }
0x81: {  	_ =	shalt  }
0x82: {  	_ =	shalt  }
0x83: {  	_ =	shalt  }
0x84: {  	_ =	shalt  }
0x85: {  	_ =	shalt  }
0x86: {  	_ =	shalt  }
0x87: {  	_ =	shalt  }
.Lfunc_end0:
.L_simem_size_0:
called_computation.1_lowered:
.L_overlay_start_0:
0x88: {  	s2 =	sld [smem:$0x3FD9]  }
0x89: {  	s3 =	sld [smem:$0x3FFE];
	_ =	sdelay $0x1  }
0x8a: {  	s1 =	srdreg.scid  }
0x8b: {  	s0 =	sand.u32 $0x1, s1  }
0x8c: {  	s15 =	sshll.u32 s0, $0xA;
	s2 =	sadd.s32 s3, s2  }
0x8d: {  	s2 =	sadd.s32 s2, s15  }
0x8e: {  	[smem:$0x3FBA] =	sst s2  }
0x8f: {  	_ = 	snop  }
0x90: {  	s2 =	sld [smem:$0x3FD0];
	_ =	sdelay $0x2  }
0x91: {  	s16 =	simm.s32 $0xB;
	s4 =	simm.s32 $0x10  }
0x92: {  	[smem:s4], [sflag:s16] =	dma.local [hbm:s2], $0x1  }
0x93: {  	_ =	swait.eq [sflag:s16], $0x1  }
0x94: {  	[sflag:s16] =	ssyncset.done $0x0  }
0x95: {  	[sflag:s16] =	ssyncadd.s32 $0xFFFFFFFF  }
0x96: {  	s17 =	sld [smem:$0x10];
	(tm) =	ssettm $0x1  }
0x97: {  	s18 =	sld [smem:$0x3FFB];
	_ =	sdelay $0x3  }
0x98: {  	_ =	strace s18  }
0x99: {  	s2 =	sld [smem:$0x3FFC];
	_ =	sdelay $0x3  }
0x9a: {  	_ =	strace s2  }
0x9b: {  	s2 =	sld [smem:$0x3FFD];
	_ =	sdelay $0x3  }
0x9c: {  	_ =	strace s2  }
0x9d: {  	_ =	strace $0x8FFFFFFF  }
0x9e: {  	s19 =	sld [smem:$0x3FDB];
	_ =	sdelay $0x1  }
0x9f: {  	s20 =	simm.s32 $_scs_section_size  }
0xa0: {  	s5 =	simm.s32 $_size__tile_overlayer_lowered;
	s6 =	simm.s32 $_tile_overlayer_lowered  }
0xa1: {  	s7 =	simm.s32 $0x1BFF;
	s21 =	sshll.u32 s6, $0x1;
	s4 =	sadd.s32 s20, s19  }
0xa2: {  	s22 =	simm.s32 $0x0;
	s5 =	sshll.u32 s5, $0x1;
	s6 =	sadd.s32 s21, s4  }
0xa3: {  	[timem:s22], [sflag:s7] =	dma.local [hbm:s6], s5  }
0xa4: {  	_ =	swait.ge [sflag:s7], s5  }
0xa5: {  	s5 =	ssub.s32 $0x0, s5;
	[sflag:s7] =	ssyncset.done $0x0  }
0xa6: {  	[sflag:s7] =	ssyncadd.s32 s5;
	_ =	sdelay $0x1  }
0xa7: {  	s23 =	simm.s32 $0x1B8B  }
0xa8: {  	_ =	swait.ge [sflag:s23], $0x1  }
0xa9: {  	[sflag:s23] =	ssyncset.done $0x0  }
0xaa: {  	[sflag:s23] =	ssyncadd.s32 $0xFFFFFFFF  }
0xab: {  	s5 =	sld [smem:$0x0]  }
0xac: {  	s6 =	sand.u32 $0xFFFFFFFE, s1  }
0xad: {  	p0 =	sne.s32 s1, s6  }
0xae: {  	s6 =	sshll.u32 @p0 s6, $0xE  }
0xaf: {  	s6 =	sadd.s32 @p0 $0x11B8D, s6;
	s7 =	sshll.u32 @p0 s5, $0x11  }
0xb0: {  	s6 =	sor.u32 @p0 s7, s6  }
0xb1: {  	[sflag:s6] =	ssyncadd.remote.s32 @p0 $0x1;
	_ =	sdelay $0x1  }
0xb2: {  	s6 =	simm.s32 @p0 $0x1B8D  }
0xb3: {  	_ =	swait.eq @p0 [sflag:s6], $0x1  }
0xb4: {  	[sflag:s6] =	ssyncadd.s32 @p0 $0xFFFFFFFF  }
0xb5: {  	s7 =	sshll.u32 @!p0 s1, $0xE  }
0xb6: {  	s7 =	sor.u32 @!p0 $0x4000, s7;
	s6 =	simm.s32 @!p0 $0x1B8D  }
0xb7: {  	s5 =	sshll.u32 @!p0 s5, $0x11;
	s7 =	sadd.s32 @!p0 $0x11B8D, s7;
	_ =	swait.eq @!p0 [sflag:s6], $0x1  }
0xb8: {  	s5 =	sor.u32 @!p0 s5, s7;
	[sflag:s6] =	ssyncadd.s32 @!p0 $0xFFFFFFFF  }
0xb9: {  	s25 =	simm.s32 $0x1B8E;
	s24 =	sld [smem:$0x3FFE];
	[sflag:s5] =	ssyncadd.remote.s32 @!p0 $0x1  }
0xba: {  	s26 =	simm.s32 $execute0_lowered;
	[smem:$0x3FD2] =	sst s25  }
0xbb: {  	s6 =	sshll.u32 s26, $0x1;
	_ =	strace $0x80000049;
	[dreg:$0x1] =	wrdreg $0xFFFFFFFF  }
0xbc: {  	s28 =	simm.s32 $_size_execute0_lowered;
	s4 =	sadd.s32 s4, s6;
	[dreg:$0x0] =	wrdreg $0x0  }
0xbd: {  	s6 =	sshll.u32 s28, $0x1;
	[dreg:$0x2] =	wrdreg s4  }
0xbe: {  	[dreg:$0x3] =	wrdreg s6  }
0xbf: {  	[dreg:$0x4] =	wrdreg $0xC0  }
0xc0: {  	_ =	task [dreg:s22], $0x5FFFF  }
0xc1: {  	[dreg:$0x1] =	wrdreg $0xFFFFFFFF  }
0xc2: {  	[dreg:$0x0] =	wrdreg $0x60  }
0xc3: {  	[dreg:$0x2] =	wrdreg s24  }
0xc4: {  	[dreg:$0x3] =	wrdreg s17  }
0xc5: {  	[dreg:$0x4] =	wrdreg $0xA  }
0xc6: {  	_ =	task.clear_ibuf [dreg:s22], $0x5FFFF;
	_ =	strace $0x90000049  }
0xc7: {  	s29 =	simm.s32 $0xA;
	_ =	strace $0x8000004B  }
0xc8: {  	_ =	swait.ge [sflag:s29], $0x1  }
0xc9: {  	[sflag:s29] =	ssyncadd.s32 $0xFFFFFFFF  }
0xca: {  	_ =	strace $0x9000004B  }
0xcb: {  	_ =	sfence  }
0xcc: {  	s30 =	sld [smem:$0x0];
	_ =	sdelay $0x2  }
0xcd: {  	s31 =	sshll.u32 s1, $0xD;
	s1 =	sshrl.u32 s1, $0x2  }
0xce: {  	s4 =	sand.u32 $0x4000, s31;
	s1 =	sadd.s32 s1, s30  }
0xcf: {  	s0 =	sor.u32 s4, s0;
	s1 =	sshll.u32 s1, $0x11  }
0xd0: {  	s0 =	sor.u32 s1, s0  }
0xd1: {  	s0 =	sadd.s32 $0x8F2B, s0  }
0xd2: {  	[sflag:s0] =	ssyncadd.remote.s32 $0x1  }
0xd3: {  	_ =	sfence.sel $0xFFFF  }
0xd4: {  	[dreg:$0x0] =	wrdreg $0xFFFFFFFF;
	(pc) =	sbr.abs _section_cstart, $3  }
0xd5: {  	[dreg:$0x1] =	wrdreg $0xFFFFFFFF  }
0xd6: {  	_ =	task.clear_ibuf [dreg:s22], $0x2FFFF;
	_ =	strace $0x9FFFFFFF  }
0xd7: {  	(tm) =	ssettm $0x7FFFFFFF  }
tec
execute0_lowered:
.L_overlay_start_1:
0x0: {  	(tag) =	ssettag $0x1  }
0x1: {  	s0 =	srdreg.scid  }
0x2: {  	s1 =	sshll.u32 s0, $0x4  }
0x3: {  	s0 =	stileid.u32;
	s1 =	sand.u32 $0x10, s1  }
0x4: {  	s1 =	sor.u32 s0, s1  }
0x5: {  	s7 =	rddreg [dreg:$0x0];
	s2 =	smin.u32 s1, $0x1E;
	s3 =	sshll.u32 s1, $0x6  }
0x6: {  	p0 =	slt.u32 s1, $0x1E;
	s1 =	simm.s32 $0x50;
	s2 =	sshll.u32 s2, $0x4  }
0x7: {  	s8 =	simm.s32 $0x1;
	s1 =	simm.s32 @!p0 $0x40;
	s2 =	sadd.s32 s3, s2  }
0x8: {  	s30 =	simm.s32 $0x2;
	s31 =	simm.s32 $0x3;
	s4 =	sadd.s32 s1, s2  }
0x9: {  	s12 =	simm.s32 $0x0;
	s9 =	simm.s32 $0x0;
	s4 =	smin.u32 s4, $0x9E0  }
0xa: {  	s10 =	simm.s32 $0x0;
	s3 =	rddreg [dreg:$0x1];
	s6 =	ssub.s32 s4, s2  }
0xb: {  	s1 =	rddreg [dreg:$0x2];
	_ =	strace $0x8000004A;
	p0 =	sgt.s32 s6, $0x0  }
0xc: {  	s5 =	sadd.s32 $0xAE00, s7;
	[sflag:s8] =	ssyncpa.u1 $0x0;
	s6 =	simm.s32 @!p0 $0x0  }
0xd: {  	s7 =	sadd.s32 $0x1EA00, s7;
	[sflag:s30] =	ssyncpa.u1 $0x0;
	s6 =	sshrl.u32 s6, $0x4  }
0xe: {  	s11 =	smov.u32 s2;
	[sflag:s31] =	ssyncpa.u1 $0x0;
	s8 =	sadd.s32 $0x1, s6  }
.LBB2_1:
0xf: {  	p0 =	sge.u32 s10, s6  }
0x10: {  	s31 =	sadd.s32 $0xFFFFFFFF, s10;
	s13 =	sxor.u32 @!p0 $0xFFFFFFFF, s9;
	s14 =	sshrl.u32 @!p0 s11, $0x3  }
0x11: {  	s15 =	sand.u32 @!p0 $0x7, s11;
	s13 =	sand.u32 @!p0 $0x10, s13;
	s14 =	sadd.s32 @!p0 s3, s14  }
0x12: {  	[tilespmem:s13], [sflag:$0x2] =	stream.linear.gather @!p0 [hbm4b:s14+s15], $0x10, $0x38;
	[tilespmem:$0x1020] =	vst v63  }
0x13: {  	p0 =	sge.u32 s31, s6  }
0x14: {  	s13 =	simm.s32 @!p0 $0x2  }
0x15: {  	_ =	swait.ge @!p0 [sflag:s13], $0x10  }
0x16: {  	s14 =	sand.u32 @!p0 $0x1, s10;
	[sflag:s13] =	ssyncset.done @!p0 $0x0  }
0x17: {  	[sflag:s13] =	ssyncadd.s32 @!p0 $0xFFFFFFF0;
	s13 =	sshll.u32 @!p0 s14, $0x4  }
0x18: {  	v0 =	vld.msk @!p0 [tilespmem:s13+$0x0 ss:$0x1], $0xffff;
	_ =	sdelay $0x4  }
0x19: {  	vm0 =	vgt.s32 @!p0 v0, $0x0  }
0x1a: {  	v0 =	vnsel @!p0 vm0, $0x0, v0  }
0x1b: {  	v0 =	vmin.u32 @!p0 v0, $0x9C3  }
0x1c: {  	v0 =	vshll.u32 @!p0 v0, $0x4;
	_ =	sdelay $0x2  }
0x1d: {  	s13 =	sshll.u32 @!p0 s14, $0xB  }
0x1e: {  	s14 =	sor.u32 @!p0 $0x20, s13;
	vm0 =	vmmov @!p0 $0xff  }
0x1f: {  	[tilespmem:s14], [sflag:$0x1] =	stream.indirect_vreg.gather @!p0 [hbm:s5], $0x80, v0, vm0, $0x38;
	[tilespmem:$0x1020] =	vst v63  }
0x20: {  	s15 =	simm.s32 @!p0 $0x1;
	s13 =	sor.u32 @!p0 $0x420, s13;
	vm0 =	vcmask @!p0 $0x3F20  }
0x21: {  	[tilespmem:s13], [sflag:$0x1] =	stream.indirect_vreg.gather @!p0 [hbm:s5], $0x80, v0, vm0, $0x38;
	[tilespmem:$0x1020] =	vst v63  }
0x22: {  	_ =	swait.ge @!p0 [sflag:s15], $0x800  }
0x23: {  	s12 =	sshll.u32 @!p0 s12, $0x4;
	[sflag:s15] =	ssyncset.done @!p0 $0x0  }
0x24: {  	s12 =	sadd.s32 @!p0 s7, s12;
	[sflag:s15] =	ssyncadd.s32 @!p0 $0xFFFFF800  }
0x25: {  	[hbm:s12] =	stream.linear.scatter @!p0 [tilespmem:s14], [sflag:$0x3], $0x400, $0x38;
	[tilespmem:$0x1020] =	vst v63  }
0x26: {  	s12 =	sadd.s32 @!p0 $0x80, s12  }
0x27: {  	[hbm:s12] =	stream.linear.scatter @!p0 [tilespmem:s13], [sflag:$0x3], $0x400, $0x38;
	[tilespmem:$0x1020] =	vst v63  }
0x28: {  	s12 =	sadd.s32 $0x10, s11  }
0x29: {  	s14 =	smov.u32 s2;
	p1 =	slt.s32 s12, s4  }
0x2a: {  	s14 =	smov.u32 @p1 s12;
	p1 =	sne.s32 s10, s8  }
.Ltmp0:
0x2b: {  	p0 =	slt.u32 s10, $0x2;
	(pc) =	sbr.rel @p1 .LBB2_1-.Ltmp0, $4  }
0x2c: {  	s13 =	simm.s32 @!p0 $0x3  }
0x2d: {  	_ =	swait.ge @!p0 [sflag:s13], $0x800  }
0x2e: {  	s9 =	sadd.s32 $0x10, s9;
	s12 =	smov.u32 s11;
	[sflag:s13] =	ssyncset.done @!p0 $0x0  }
0x2f: {  	s10 =	sadd.s32 $0x1, s10;
	s11 =	smov.u32 s14;
	[sflag:s13] =	ssyncadd.s32 @!p0 $0xFFFFF800  }
0x30: {  	_ =	sfence.sel $0x180000  }
0x31: {  	s2 =	simm.s32 $0x2;
	[bflag:$0x0] =	sbarrier.arrive $0xFFFF  }
0x32: {  	s30 =	simm.s32 $0x3;
	[sflag:s2] =	ssyncpa.u1 $0x1  }
0x33: {  	s31 =	simm.s32 $0x1;
	[sflag:s30] =	ssyncpa.u1 $0x1  }
0x34: {  	[sflag:s31] =	ssyncpa.u1 $0x1  }
0x35: {  	p0 =	sne.s32 s0, $0x0;
	_ =	strace $0x9000004A  }
0x36: {  	s0 =	sadd.s32 @!p0 $0x100000, s1;
	[bflag:$0x2] =	sbarrier.arrive $0xFFFF  }
0x37: {  	[sflag:s0] =	ssyncadd.tile.s32 @!p0 $0x1;
	_ =	shalt  }
.Lfunc_end2:
_tile_overlayer_lowered:
.L_overlay_start_2:
0x38: {  	(tag) =	ssettag $0x2  }
0x39: {  	s0 =	rddreg [dreg:$0x0];
	s2 =	stileid.u32  }
0x3a: {  	s1 =	rddreg [dreg:$0x1];
	p0 =	sne.s32 s2, $0x0  }
0x3b: {  	s3 =	rddreg [dreg:$0x2];
	[bflag:$0x3] =	sbarrier.arrive $0xFFFF;
	s2 =	simm.s32 @!p0 $0x1C01  }
0x3c: {  	[timem:s3], [sflag:s2] =	dma.local @!p0 [hbm:s0], s1  }
0x3d: {  	s0 =	simm.s32 @!p0 $0x1  }
0x3e: {  	_ =	swait.ge @!p0 [sflag:s0], s1  }
0x3f: {  	s1 =	ssub.s32 @!p0 $0x0, s1;
	[sflag:s0] =	ssyncset.done @!p0 $0x0  }
0x40: {  	[sflag:s0] =	ssyncadd.s32 @!p0 s1  }
0x41: {  	[bflag:$0x3] =	sbarrier.arrive $0xFFFF  }
0x42: {  	_ =	shalt  }

// kernel: gather_offload_async_start
scs
__scs_entry_jumppad:
0x0: {  	(pc) =	sbr.rel $0x88, $3  }
0x1: {  	(tag) =	ssettag $0x0;
	lr =	simm.s32 $0x1  }
0x2: {  	[smem:$0x3F93] =	sst lr;
	_ =	strace $0xD0000000  }
0x3: {  	_ = 	snop  }
0x4: {  	_ = 	snop  }
0x5: {  	_ = 	snop  }
0x6: {  	_ = 	snop  }
0x7: {  	_ = 	snop  }
__scs_overlays_trampoline_lowered:
0x8: {  	[smem:$0x3FA2] =	sst s0  }
0x9: {  	[smem:$0x3FA3] =	sst s1  }
0xa: {  	[smem:$0x3FA4] =	sst s2  }
0xb: {  	[smem:$0x3FA5] =	sst s3  }
0xc: {  	[smem:$0x3FA6] =	sst s4  }
0xd: {  	[smem:$0x3FA7] =	sst s5  }
0xe: {  	[smem:$0x3FA8] =	sst s6  }
0xf: {  	[smem:$0x3FA9] =	sst s7  }
0x10: {  	[smem:$0x3FAA] =	sst s8  }
0x11: {  	[smem:$0x3FAB] =	sst s9;
	s0 =	simm.s32 @!p0 $0x0  }
0x12: {  	s1 =	sld [smem:$0x3F91];
	s0 =	simm.s32 @p0 $0x1  }
0x13: {  	[smem:$0x3FAC] =	sst s0;
	s0 =	simm.s32 @!p1 $0x0  }
0x14: {  	s2 =	sld [smem:$0x3F90];
	s0 =	simm.s32 @p1 $0x1  }
0x15: {  	[smem:$0x3FAD] =	sst s0;
	s0 =	simm.s32 @!p2 $0x0  }
0x16: {  	s3 =	sld [smem:$0x3FDB];
	s0 =	simm.s32 @p2 $0x1  }
0x17: {  	s4 =	simm.s32 $0x1BF5;
	[smem:$0x3FAF] =	sst s0  }
0x18: {  	s0 =	sld [smem:$0x3F92];
	_ =	swait.ge [sflag:s4], $0x0  }
0x19: {  	s7 =	sld [smem:$0x3F93]  }
0x1a: {  	s8 =	sadd.s32 $0xFFFFE003, lr  }
0x1b: {  	s9 =	sadd.s32 $0xFFFFFEF7, lr;
	s5 =	simm.s32 $0xFFFFFFFF;
	p2 =	slt.u32 s8, $0xFFFFF086  }
0x1c: {  	p1 =	slt.u32 s9, $0xF7A;
	s5 =	simm.s32 @!p2 $0x0  }
0x1d: {  	s5 =	simm.s32 @p1 $0x1;
	p0 =	seq.s32 s7, s2  }
0x1e: {  	s7 =	smul.u32 @!p0 $0xF7A, s2;
	p2 =	seq.s32 @!p0 s5, $0x0  }
0x1f: {  	s9 =	smul.u32 $0xF7A, s1;
	s8 =	simm.s32 @!p0 $0x1BF5;
	p2 =	por !p2, p0  }
0x20: {  	[sflag:s8] =	ssyncset.s32 @!p0 $0xFFFFF086;
	s6 =	sadd.s32 @!p0 s3, s7;
	s7 =	simm.s32 @!p0 $0x108  }
0x21: {  	s3 =	sadd.s32 s3, s9;
	s6 =	sadd.s32 @!p0 $0x88, s6;
	s7 =	simm.s32 @p2 $0x1082  }
0x22: {  	[simem:s7], [sflag:s8] =	dma.local @!p0 [hbm:s6], $0xF7A  }
0x23: {  	s9 =	sor.u32 $0xD0000000, s2;
	s6 =	simm.s32 $0x108;
	_ =	swait.ge @!p0 [sflag:s8], $0x0  }
0x24: {  	s3 =	sadd.s32 $0x88, s3;
	s6 =	simm.s32 @!p1 $0x1082;
	[sflag:s4] =	ssyncset.s32 $0xFFFFF086  }
0x25: {  	[simem:s6], [sflag:s4] =	dma.local [hbm:s3], $0xF7A  }
0x26: {  	[smem:$0x3F93] =	sst s1;
	(tag) =	ssettag s2;
	_ =	strace s9  }
0x27: {  	s1 =	sld [smem:$0x3FA3]  }
0x28: {  	s2 =	sld [smem:$0x3FA4]  }
0x29: {  	s4 =	sld [smem:$0x3FA6]  }
0x2a: {  	p0 =	seq.s32 s5, $0x0;
	s5 =	sld [smem:$0x3FA7]  }
0x2b: {  	s6 =	sld [smem:$0x3FA8]  }
0x2c: {  	s7 =	sld [smem:$0x3FA9]  }
0x2d: {  	s3 =	simm.s32 $0x108;
	s8 =	sld [smem:$0x3FAA]  }
0x2e: {  	s3 =	simm.s32 @!p0 $0x1082;
	s9 =	sld [smem:$0x3FAB]  }
0x2f: {  	lr =	sadd.s32 s0, s3;
	s0 =	sld [smem:$0x3FA2]  }
0x30: {  	s3 =	sld [smem:$0x3FA5]  }
0x31: {  	[smem:$0x3FAE] =	sst s10  }
0x32: {  	s10 =	sld [smem:$0x3FAC];
	_ =	sdelay $0x3  }
0x33: {  	p0 =	seq.s32 s10, $0x1;
	s10 =	sld [smem:$0x3FAE];
	_ =	sdelay $0x3  }
0x34: {  	[smem:$0x3FAE] =	sst s10  }
0x35: {  	s10 =	sld [smem:$0x3FAD];
	_ =	sdelay $0x3  }
0x36: {  	p1 =	seq.s32 s10, $0x1;
	s10 =	sld [smem:$0x3FAE];
	_ =	sdelay $0x3  }
0x37: {  	[smem:$0x3FAE] =	sst s10  }
0x38: {  	s10 =	sld [smem:$0x3FAF]  }
0x39: {  	_ = 	snop;
	(pc) =	sbr.ind lr, $3  }
0x3a: {  	_ = 	snop  }
0x3b: {  	_ = 	snop  }
0x3c: {  	p2 =	seq.s32 s10, $0x1;
	s10 =	sld [smem:$0x3FAE]  }
0x3d: {  	_ =	shalt  }
0x3e: {  	_ =	shalt  }
0x3f: {  	_ =	shalt  }
0x40: {  	_ =	shalt  }
0x41: {  	_ =	shalt  }
0x42: {  	_ =	shalt  }
0x43: {  	_ =	shalt  }
0x44: {  	_ =	shalt  }
0x45: {  	_ =	shalt  }
0x46: {  	_ =	shalt  }
0x47: {  	_ =	shalt  }
0x48: {  	_ =	shalt  }
0x49: {  	_ =	shalt  }
0x4a: {  	_ =	shalt  }
0x4b: {  	_ =	shalt  }
0x4c: {  	_ =	shalt  }
0x4d: {  	_ =	shalt  }
0x4e: {  	_ =	shalt  }
0x4f: {  	_ =	shalt  }
0x50: {  	_ =	shalt  }
0x51: {  	_ =	shalt  }
0x52: {  	_ =	shalt  }
0x53: {  	_ =	shalt  }
0x54: {  	_ =	shalt  }
0x55: {  	_ =	shalt  }
0x56: {  	_ =	shalt  }
0x57: {  	_ =	shalt  }
0x58: {  	_ =	shalt  }
0x59: {  	_ =	shalt  }
0x5a: {  	_ =	shalt  }
0x5b: {  	_ =	shalt  }
0x5c: {  	_ =	shalt  }
0x5d: {  	_ =	shalt  }
0x5e: {  	_ =	shalt  }
0x5f: {  	_ =	shalt  }
0x60: {  	_ =	shalt  }
0x61: {  	_ =	shalt  }
0x62: {  	_ =	shalt  }
0x63: {  	_ =	shalt  }
0x64: {  	_ =	shalt  }
0x65: {  	_ =	shalt  }
0x66: {  	_ =	shalt  }
0x67: {  	_ =	shalt  }
0x68: {  	_ =	shalt  }
0x69: {  	_ =	shalt  }
0x6a: {  	_ =	shalt  }
0x6b: {  	_ =	shalt  }
0x6c: {  	_ =	shalt  }
0x6d: {  	_ =	shalt  }
0x6e: {  	_ =	shalt  }
0x6f: {  	_ =	shalt  }
0x70: {  	_ =	shalt  }
0x71: {  	_ =	shalt  }
0x72: {  	_ =	shalt  }
0x73: {  	_ =	shalt  }
0x74: {  	_ =	shalt  }
0x75: {  	_ =	shalt  }
0x76: {  	_ =	shalt  }
0x77: {  	_ =	shalt  }
0x78: {  	_ =	shalt  }
0x79: {  	_ =	shalt  }
0x7a: {  	_ =	shalt  }
0x7b: {  	_ =	shalt  }
0x7c: {  	_ =	shalt  }
0x7d: {  	_ =	shalt  }
0x7e: {  	_ =	shalt  }
0x7f: {  	_ =	shalt  }
0x80: {  	_ =	shalt  }
0x81: {  	_ =	shalt  }
0x82: {  	_ =	shalt  }
0x83: {  	_ =	shalt  }
0x84: {  	_ =	shalt  }
0x85: {  	_ =	shalt  }
0x86: {  	_ =	shalt  }
0x87: {  	_ =	shalt  }
.Lfunc_end0:
.L_simem_size_0:
called_computation_lowered:
.L_overlay_start_0:
0x88: {  	s2 =	sld [smem:$0x3FD9]  }
0x89: {  	s3 =	sld [smem:$0x3FFE];
	_ =	sdelay $0x1  }
0x8a: {  	s1 =	srdreg.scid  }
0x8b: {  	s0 =	sand.u32 $0x1, s1  }
0x8c: {  	s14 =	sshll.u32 s0, $0xA;
	s2 =	sadd.s32 s3, s2  }
0x8d: {  	s2 =	sadd.s32 s2, s14  }
0x8e: {  	[smem:$0x3FBA] =	sst s2  }
0x8f: {  	_ = 	snop  }
0x90: {  	s2 =	sld [smem:$0x3FD0];
	_ =	sdelay $0x2  }
0x91: {  	s15 =	simm.s32 $0xB;
	s4 =	simm.s32 $0x10  }
0x92: {  	[smem:s4], [sflag:s15] =	dma.local [hbm:s2], $0x1  }
0x93: {  	_ =	swait.eq [sflag:s15], $0x1  }
0x94: {  	[sflag:s15] =	ssyncset.done $0x0  }
0x95: {  	[sflag:s15] =	ssyncadd.s32 $0xFFFFFFFF  }
0x96: {  	s16 =	sld [smem:$0x10];
	(tm) =	ssettm $0x1  }
0x97: {  	s17 =	sld [smem:$0x3FFB];
	_ =	sdelay $0x3  }
0x98: {  	_ =	strace s17  }
0x99: {  	s3 =	sld [smem:$0x3FFC];
	_ =	sdelay $0x3  }
0x9a: {  	_ =	strace s3  }
0x9b: {  	s3 =	sld [smem:$0x3FFD];
	_ =	sdelay $0x3  }
0x9c: {  	_ =	strace s3  }
0x9d: {  	_ =	strace $0x8FFFFFFF  }
0x9e: {  	s18 =	sld [smem:$0x3FDB];
	_ =	sdelay $0x1  }
0x9f: {  	s19 =	simm.s32 $_scs_section_size  }
0xa0: {  	s5 =	simm.s32 $_size__tile_overlayer_lowered;
	s6 =	simm.s32 $_tile_overlayer_lowered  }
0xa1: {  	s22 =	simm.s32 $0x1BFF;
	s21 =	sshll.u32 s6, $0x1;
	s3 =	sadd.s32 s19, s18  }
0xa2: {  	s7 =	simm.s32 $0x0;
	s20 =	sshll.u32 s5, $0x1;
	s5 =	sadd.s32 s21, s3  }
0xa3: {  	[timem:s7], [sflag:s22] =	dma.local [hbm:s5], s20  }
0xa4: {  	_ =	swait.ge [sflag:s22], s20  }
0xa5: {  	s4 =	ssub.s32 $0x0, s20;
	[sflag:s22] =	ssyncset.done $0x0  }
0xa6: {  	[sflag:s22] =	ssyncadd.s32 s4;
	_ =	sdelay $0x1  }
0xa7: {  	s23 =	simm.s32 $0x1B8B  }
0xa8: {  	_ =	swait.ge [sflag:s23], $0x1  }
0xa9: {  	[sflag:s23] =	ssyncset.done $0x0  }
0xaa: {  	s25 =	simm.s32 $0x1B8E;
	s24 =	sld [smem:$0x3FFE];
	[sflag:s23] =	ssyncadd.s32 $0xFFFFFFFF  }
0xab: {  	s26 =	simm.s32 $execute0_lowered;
	[smem:$0x3FD2] =	sst s25  }
0xac: {  	s5 =	sshll.u32 s26, $0x1;
	_ =	strace $0x80000046;
	[dreg:$0x1] =	wrdreg $0xFFFFFFFF  }
0xad: {  	s28 =	simm.s32 $_size_execute0_lowered;
	s3 =	sadd.s32 s3, s5;
	[dreg:$0x0] =	wrdreg $0x0  }
0xae: {  	s5 =	sshll.u32 s28, $0x1;
	[dreg:$0x2] =	wrdreg s3  }
0xaf: {  	[dreg:$0x3] =	wrdreg s5  }
0xb0: {  	[dreg:$0x4] =	wrdreg $0xC0  }
0xb1: {  	_ =	task [dreg:s7], $0x5FFFF  }
0xb2: {  	[dreg:$0x1] =	wrdreg $0xFFFFFFFF  }
0xb3: {  	[dreg:$0x0] =	wrdreg $0x60  }
0xb4: {  	[dreg:$0x2] =	wrdreg s24  }
0xb5: {  	[dreg:$0x3] =	wrdreg s16  }
0xb6: {  	[dreg:$0x4] =	wrdreg $0x9  }
0xb7: {  	_ =	task.clear_ibuf [dreg:s7], $0x5FFFF;
	_ =	strace $0x90000046  }
0xb8: {  	s29 =	simm.s32 $0x9;
	_ =	strace $0x80000048  }
0xb9: {  	_ =	swait.ge [sflag:s29], $0x1  }
0xba: {  	[sflag:s29] =	ssyncadd.s32 $0xFFFFFFFF  }
0xbb: {  	_ =	strace $0x90000048  }
0xbc: {  	_ =	sfence  }
0xbd: {  	s30 =	sld [smem:$0x0];
	_ =	sdelay $0x2  }
0xbe: {  	s31 =	sshll.u32 s1, $0xD;
	s1 =	sshrl.u32 s1, $0x2  }
0xbf: {  	s3 =	sand.u32 $0x4000, s31;
	s1 =	sadd.s32 s1, s30  }
0xc0: {  	s0 =	sor.u32 s3, s0;
	s1 =	sshll.u32 s1, $0x11  }
0xc1: {  	s0 =	sor.u32 s1, s0  }
0xc2: {  	s0 =	sadd.s32 $0x8F2B, s0  }
0xc3: {  	[sflag:s0] =	ssyncadd.remote.s32 $0x1  }
0xc4: {  	_ =	sfence.sel $0xFFFF  }
0xc5: {  	[dreg:$0x0] =	wrdreg $0xFFFFFFFF;
	(pc) =	sbr.abs _section_cstart, $3  }
0xc6: {  	[dreg:$0x1] =	wrdreg $0xFFFFFFFF  }
0xc7: {  	_ =	task.clear_ibuf [dreg:s7], $0x2FFFF;
	_ =	strace $0x9FFFFFFF  }
0xc8: {  	(tm) =	ssettm $0x7FFFFFFF  }
0xc9: {  	_ =	shalt  }
tec
execute0_lowered:
.L_overlay_start_1:
0x0: {  	(tag) =	ssettag $0x1  }
0x1: {  	s0 =	srdreg.scid  }
0x2: {  	s1 =	sshll.u32 s0, $0x4  }
0x3: {  	s0 =	stileid.u32;
	s1 =	sand.u32 $0x10, s1  }
0x4: {  	s1 =	sor.u32 s0, s1  }
0x5: {  	s7 =	rddreg [dreg:$0x0];
	s2 =	smin.u32 s1, $0x1E;
	s3 =	sshll.u32 s1, $0x6  }
0x6: {  	p0 =	slt.u32 s1, $0x1E;
	s1 =	simm.s32 $0x50;
	s2 =	sshll.u32 s2, $0x4  }
0x7: {  	s8 =	simm.s32 $0x1;
	s1 =	simm.s32 @!p0 $0x40;
	s2 =	sadd.s32 s3, s2  }
0x8: {  	s30 =	simm.s32 $0x2;
	s31 =	simm.s32 $0x3;
	s4 =	sadd.s32 s1, s2  }
0x9: {  	s12 =	simm.s32 $0x0;
	s9 =	simm.s32 $0x0;
	s4 =	smin.u32 s4, $0x9E0  }
0xa: {  	s10 =	simm.s32 $0x0;
	s3 =	rddreg [dreg:$0x1];
	s6 =	ssub.s32 s4, s2  }
0xb: {  	s1 =	rddreg [dreg:$0x2];
	_ =	strace $0x80000047;
	p0 =	sgt.s32 s6, $0x0  }
0xc: {  	s5 =	sadd.s32 $0x1000, s7;
	[sflag:s8] =	ssyncpa.u1 $0x0;
	s6 =	simm.s32 @!p0 $0x0  }
0xd: {  	s7 =	sadd.s32 $0x14C00, s7;
	[sflag:s30] =	ssyncpa.u1 $0x0;
	s6 =	sshrl.u32 s6, $0x4  }
0xe: {  	s11 =	smov.u32 s2;
	[sflag:s31] =	ssyncpa.u1 $0x0;
	s8 =	sadd.s32 $0x1, s6  }
.LBB2_1:
0xf: {  	p0 =	sge.u32 s10, s6  }
0x10: {  	s31 =	sadd.s32 $0xFFFFFFFF, s10;
	s13 =	sxor.u32 @!p0 $0xFFFFFFFF, s9;
	s14 =	sshrl.u32 @!p0 s11, $0x3  }
0x11: {  	s15 =	sand.u32 @!p0 $0x7, s11;
	s13 =	sand.u32 @!p0 $0x10, s13;
	s14 =	sadd.s32 @!p0 s3, s14  }
0x12: {  	[tilespmem:s13], [sflag:$0x2] =	stream.linear.gather @!p0 [hbm4b:s14+s15], $0x10, $0x38;
	[tilespmem:$0x1020] =	vst v63  }
0x13: {  	p0 =	sge.u32 s31, s6  }
0x14: {  	s13 =	simm.s32 @!p0 $0x2  }
0x15: {  	_ =	swait.ge @!p0 [sflag:s13], $0x10  }
0x16: {  	s14 =	sand.u32 @!p0 $0x1, s10;
	[sflag:s13] =	ssyncset.done @!p0 $0x0  }
0x17: {  	[sflag:s13] =	ssyncadd.s32 @!p0 $0xFFFFFFF0;
	s13 =	sshll.u32 @!p0 s14, $0x4  }
0x18: {  	v0 =	vld.msk @!p0 [tilespmem:s13+$0x0 ss:$0x1], $0xffff;
	_ =	sdelay $0x4  }
0x19: {  	vm0 =	vgt.s32 @!p0 v0, $0x0  }
0x1a: {  	v0 =	vnsel @!p0 vm0, $0x0, v0  }
0x1b: {  	v0 =	vmin.u32 @!p0 v0, $0x9C3  }
0x1c: {  	v0 =	vshll.u32 @!p0 v0, $0x4;
	_ =	sdelay $0x2  }
0x1d: {  	s13 =	sshll.u32 @!p0 s14, $0xB  }
0x1e: {  	s14 =	sor.u32 @!p0 $0x20, s13;
	vm0 =	vmmov @!p0 $0xff  }
0x1f: {  	[tilespmem:s14], [sflag:$0x1] =	stream.indirect_vreg.gather @!p0 [hbm:s5], $0x80, v0, vm0, $0x38;
	[tilespmem:$0x1020] =	vst v63  }
0x20: {  	s15 =	simm.s32 @!p0 $0x1;
	s13 =	sor.u32 @!p0 $0x420, s13;
	vm0 =	vcmask @!p0 $0x3F20  }
0x21: {  	[tilespmem:s13], [sflag:$0x1] =	stream.indirect_vreg.gather @!p0 [hbm:s5], $0x80, v0, vm0, $0x38;
	[tilespmem:$0x1020] =	vst v63  }
0x22: {  	_ =	swait.ge @!p0 [sflag:s15], $0x800  }
0x23: {  	s12 =	sshll.u32 @!p0 s12, $0x4;
	[sflag:s15] =	ssyncset.done @!p0 $0x0  }
0x24: {  	s12 =	sadd.s32 @!p0 s7, s12;
	[sflag:s15] =	ssyncadd.s32 @!p0 $0xFFFFF800  }
0x25: {  	[hbm:s12] =	stream.linear.scatter @!p0 [tilespmem:s14], [sflag:$0x3], $0x400, $0x38;
	[tilespmem:$0x1020] =	vst v63  }
0x26: {  	s12 =	sadd.s32 @!p0 $0x80, s12  }
0x27: {  	[hbm:s12] =	stream.linear.scatter @!p0 [tilespmem:s13], [sflag:$0x3], $0x400, $0x38;
	[tilespmem:$0x1020] =	vst v63  }
0x28: {  	s12 =	sadd.s32 $0x10, s11  }
0x29: {  	s14 =	smov.u32 s2;
	p1 =	slt.s32 s12, s4  }
0x2a: {  	s14 =	smov.u32 @p1 s12;
	p1 =	sne.s32 s10, s8  }
.Ltmp0:
0x2b: {  	p0 =	slt.u32 s10, $0x2;
	(pc) =	sbr.rel @p1 .LBB2_1-.Ltmp0, $4  }
0x2c: {  	s13 =	simm.s32 @!p0 $0x3  }
0x2d: {  	_ =	swait.ge @!p0 [sflag:s13], $0x800  }
0x2e: {  	s9 =	sadd.s32 $0x10, s9;
	s12 =	smov.u32 s11;
	[sflag:s13] =	ssyncset.done @!p0 $0x0  }
0x2f: {  	s10 =	sadd.s32 $0x1, s10;
	s11 =	smov.u32 s14;
	[sflag:s13] =	ssyncadd.s32 @!p0 $0xFFFFF800  }
0x30: {  	_ =	sfence.sel $0x180000  }
0x31: {  	s2 =	simm.s32 $0x2;
	[bflag:$0x0] =	sbarrier.arrive $0xFFFF  }
0x32: {  	s30 =	simm.s32 $0x3;
	[sflag:s2] =	ssyncpa.u1 $0x1  }
0x33: {  	s31 =	simm.s32 $0x1;
	[sflag:s30] =	ssyncpa.u1 $0x1  }
0x34: {  	[sflag:s31] =	ssyncpa.u1 $0x1  }
0x35: {  	p0 =	sne.s32 s0, $0x0;
	_ =	strace $0x90000047  }
0x36: {  	s0 =	sadd.s32 @!p0 $0x100000, s1;
	[bflag:$0x2] =	sbarrier.arrive $0xFFFF  }
0x37: {  	[sflag:s0] =	ssyncadd.tile.s32 @!p0 $0x1;
	_ =	shalt  }
.Lfunc_end2:
_tile_overlayer_lowered:
.L_overlay_start_2:
0x38: {  	(tag) =	ssettag $0x2  }
0x39: {  	s0 =	rddreg [dreg:$0x0];
	s2 =	stileid.u32  }
0x3a: {  	s1 =	rddreg [dreg:$0x1];
	p0 =	sne.s32 s2, $0x0  }
0x3b: {  	s3 =	rddreg [dreg:$0x2];
	[bflag:$0x3] =	sbarrier.arrive $0xFFFF;
	s2 =	simm.s32 @!p0 $0x1C01  }
0x3c: {  	[timem:s3], [sflag:s2] =	dma.local @!p0 [hbm:s0], s1  }
0x3d: {  	s0 =	simm.s32 @!p0 $0x1  }
0x3e: {  	_ =	swait.ge @!p0 [sflag:s0], s1  }
0x3f: {  	s1 =	ssub.s32 @!p0 $0x0, s1;
	[sflag:s0] =	ssyncset.done @!p0 $0x0  }
0x40: {  	[sflag:s0] =	ssyncadd.s32 @!p0 s1  }
0x41: {  	[bflag:$0x3] =	sbarrier.arrive $0xFFFF  }
0x42: {  	_ =	shalt  }

// kernel: kernel.4.cloned.1.call-start
scs
__scs_entry_jumppad:
0x0: {  	(pc) =	sbr.rel $0x88, $3  }
0x1: {  	(tag) =	ssettag $0x0;
	lr =	simm.s32 $0x1  }
0x2: {  	[smem:$0x3F93] =	sst lr;
	_ =	strace $0xD0000000  }
0x3: {  	_ = 	snop  }
0x4: {  	_ = 	snop  }
0x5: {  	_ = 	snop  }
0x6: {  	_ = 	snop  }
0x7: {  	_ = 	snop  }
__scs_overlays_trampoline_lowered:
0x8: {  	[smem:$0x3FA2] =	sst s0  }
0x9: {  	[smem:$0x3FA3] =	sst s1  }
0xa: {  	[smem:$0x3FA4] =	sst s2  }
0xb: {  	[smem:$0x3FA5] =	sst s3  }
0xc: {  	[smem:$0x3FA6] =	sst s4  }
0xd: {  	[smem:$0x3FA7] =	sst s5  }
0xe: {  	[smem:$0x3FA8] =	sst s6  }
0xf: {  	[smem:$0x3FA9] =	sst s7  }
0x10: {  	[smem:$0x3FAA] =	sst s8  }
0x11: {  	[smem:$0x3FAB] =	sst s9;
	s0 =	simm.s32 @!p0 $0x0  }
0x12: {  	s1 =	sld [smem:$0x3F91];
	s0 =	simm.s32 @p0 $0x1  }
0x13: {  	[smem:$0x3FAC] =	sst s0;
	s0 =	simm.s32 @!p1 $0x0  }
0x14: {  	s2 =	sld [smem:$0x3F90];
	s0 =	simm.s32 @p1 $0x1  }
0x15: {  	[smem:$0x3FAD] =	sst s0;
	s0 =	simm.s32 @!p2 $0x0  }
0x16: {  	s3 =	sld [smem:$0x3FDB];
	s0 =	simm.s32 @p2 $0x1  }
0x17: {  	s4 =	simm.s32 $0x1BF5;
	[smem:$0x3FAF] =	sst s0  }
0x18: {  	s0 =	sld [smem:$0x3F92];
	_ =	swait.ge [sflag:s4], $0x0  }
0x19: {  	s7 =	sld [smem:$0x3F93]  }
0x1a: {  	s8 =	sadd.s32 $0xFFFFE003, lr  }
0x1b: {  	s9 =	sadd.s32 $0xFFFFFEF7, lr;
	s5 =	simm.s32 $0xFFFFFFFF;
	p2 =	slt.u32 s8, $0xFFFFF086  }
0x1c: {  	p1 =	slt.u32 s9, $0xF7A;
	s5 =	simm.s32 @!p2 $0x0  }
0x1d: {  	s5 =	simm.s32 @p1 $0x1;
	p0 =	seq.s32 s7, s2  }
0x1e: {  	s7 =	smul.u32 @!p0 $0xF7A, s2;
	p2 =	seq.s32 @!p0 s5, $0x0  }
0x1f: {  	s9 =	smul.u32 $0xF7A, s1;
	s8 =	simm.s32 @!p0 $0x1BF5;
	p2 =	por !p2, p0  }
0x20: {  	[sflag:s8] =	ssyncset.s32 @!p0 $0xFFFFF086;
	s6 =	sadd.s32 @!p0 s3, s7;
	s7 =	simm.s32 @!p0 $0x108  }
0x21: {  	s3 =	sadd.s32 s3, s9;
	s6 =	sadd.s32 @!p0 $0x88, s6;
	s7 =	simm.s32 @p2 $0x1082  }
0x22: {  	[simem:s7], [sflag:s8] =	dma.local @!p0 [hbm:s6], $0xF7A  }
0x23: {  	s9 =	sor.u32 $0xD0000000, s2;
	s6 =	simm.s32 $0x108;
	_ =	swait.ge @!p0 [sflag:s8], $0x0  }
0x24: {  	s3 =	sadd.s32 $0x88, s3;
	s6 =	simm.s32 @!p1 $0x1082;
	[sflag:s4] =	ssyncset.s32 $0xFFFFF086  }
0x25: {  	[simem:s6], [sflag:s4] =	dma.local [hbm:s3], $0xF7A  }
0x26: {  	[smem:$0x3F93] =	sst s1;
	(tag) =	ssettag s2;
	_ =	strace s9  }
0x27: {  	s1 =	sld [smem:$0x3FA3]  }
0x28: {  	s2 =	sld [smem:$0x3FA4]  }
0x29: {  	s4 =	sld [smem:$0x3FA6]  }
0x2a: {  	p0 =	seq.s32 s5, $0x0;
	s5 =	sld [smem:$0x3FA7]  }
0x2b: {  	s6 =	sld [smem:$0x3FA8]  }
0x2c: {  	s7 =	sld [smem:$0x3FA9]  }
0x2d: {  	s3 =	simm.s32 $0x108;
	s8 =	sld [smem:$0x3FAA]  }
0x2e: {  	s3 =	simm.s32 @!p0 $0x1082;
	s9 =	sld [smem:$0x3FAB]  }
0x2f: {  	lr =	sadd.s32 s0, s3;
	s0 =	sld [smem:$0x3FA2]  }
0x30: {  	s3 =	sld [smem:$0x3FA5]  }
0x31: {  	[smem:$0x3FAE] =	sst s10  }
0x32: {  	s10 =	sld [smem:$0x3FAC];
	_ =	sdelay $0x3  }
0x33: {  	p0 =	seq.s32 s10, $0x1;
	s10 =	sld [smem:$0x3FAE];
	_ =	sdelay $0x3  }
0x34: {  	[smem:$0x3FAE] =	sst s10  }
0x35: {  	s10 =	sld [smem:$0x3FAD];
	_ =	sdelay $0x3  }
0x36: {  	p1 =	seq.s32 s10, $0x1;
	s10 =	sld [smem:$0x3FAE];
	_ =	sdelay $0x3  }
0x37: {  	[smem:$0x3FAE] =	sst s10  }
0x38: {  	s10 =	sld [smem:$0x3FAF]  }
0x39: {  	_ = 	snop;
	(pc) =	sbr.ind lr, $3  }
0x3a: {  	_ = 	snop  }
0x3b: {  	_ = 	snop  }
0x3c: {  	p2 =	seq.s32 s10, $0x1;
	s10 =	sld [smem:$0x3FAE]  }
0x3d: {  	_ =	shalt  }
0x3e: {  	_ =	shalt  }
0x3f: {  	_ =	shalt  }
0x40: {  	_ =	shalt  }
0x41: {  	_ =	shalt  }
0x42: {  	_ =	shalt  }
0x43: {  	_ =	shalt  }
0x44: {  	_ =	shalt  }
0x45: {  	_ =	shalt  }
0x46: {  	_ =	shalt  }
0x47: {  	_ =	shalt  }
0x48: {  	_ =	shalt  }
0x49: {  	_ =	shalt  }
0x4a: {  	_ =	shalt  }
0x4b: {  	_ =	shalt  }
0x4c: {  	_ =	shalt  }
0x4d: {  	_ =	shalt  }
0x4e: {  	_ =	shalt  }
0x4f: {  	_ =	shalt  }
0x50: {  	_ =	shalt  }
0x51: {  	_ =	shalt  }
0x52: {  	_ =	shalt  }
0x53: {  	_ =	shalt  }
0x54: {  	_ =	shalt  }
0x55: {  	_ =	shalt  }
0x56: {  	_ =	shalt  }
0x57: {  	_ =	shalt  }
0x58: {  	_ =	shalt  }
0x59: {  	_ =	shalt  }
0x5a: {  	_ =	shalt  }
0x5b: {  	_ =	shalt  }
0x5c: {  	_ =	shalt  }
0x5d: {  	_ =	shalt  }
0x5e: {  	_ =	shalt  }
0x5f: {  	_ =	shalt  }
0x60: {  	_ =	shalt  }
0x61: {  	_ =	shalt  }
0x62: {  	_ =	shalt  }
0x63: {  	_ =	shalt  }
0x64: {  	_ =	shalt  }
0x65: {  	_ =	shalt  }
0x66: {  	_ =	shalt  }
0x67: {  	_ =	shalt  }
0x68: {  	_ =	shalt  }
0x69: {  	_ =	shalt  }
0x6a: {  	_ =	shalt  }
0x6b: {  	_ =	shalt  }
0x6c: {  	_ =	shalt  }
0x6d: {  	_ =	shalt  }
0x6e: {  	_ =	shalt  }
0x6f: {  	_ =	shalt  }
0x70: {  	_ =	shalt  }
0x71: {  	_ =	shalt  }
0x72: {  	_ =	shalt  }
0x73: {  	_ =	shalt  }
0x74: {  	_ =	shalt  }
0x75: {  	_ =	shalt  }
0x76: {  	_ =	shalt  }
0x77: {  	_ =	shalt  }
0x78: {  	_ =	shalt  }
0x79: {  	_ =	shalt  }
0x7a: {  	_ =	shalt  }
0x7b: {  	_ =	shalt  }
0x7c: {  	_ =	shalt  }
0x7d: {  	_ =	shalt  }
0x7e: {  	_ =	shalt  }
0x7f: {  	_ =	shalt  }
0x80: {  	_ =	shalt  }
0x81: {  	_ =	shalt  }
0x82: {  	_ =	shalt  }
0x83: {  	_ =	shalt  }
0x84: {  	_ =	shalt  }
0x85: {  	_ =	shalt  }
0x86: {  	_ =	shalt  }
0x87: {  	_ =	shalt  }
.Lfunc_end0:
.L_simem_size_0:
called_computation.2_lowered:
.L_overlay_start_0:
0x88: {  	s2 =	sld [smem:$0x3FD9]  }
0x89: {  	s3 =	sld [smem:$0x3FFE];
	_ =	sdelay $0x1  }
0x8a: {  	s1 =	srdreg.scid  }
0x8b: {  	s0 =	sand.u32 $0x1, s1  }
0x8c: {  	s17 =	sshll.u32 s0, $0xA;
	s2 =	sadd.s32 s3, s2  }
0x8d: {  	s2 =	sadd.s32 s2, s17  }
0x8e: {  	[smem:$0x3FBA] =	sst s2  }
0x8f: {  	_ = 	snop  }
0x90: {  	s2 =	sld [smem:$0x3FC9];
	(tm) =	ssettm $0x1  }
0x91: {  	s18 =	sld [smem:$0x3FFB];
	_ =	sdelay $0x3  }
0x92: {  	_ =	strace s18  }
0x93: {  	s3 =	sld [smem:$0x3FFC];
	_ =	sdelay $0x3  }
0x94: {  	_ =	strace s3  }
0x95: {  	s3 =	sld [smem:$0x3FFD];
	_ =	sdelay $0x3  }
0x96: {  	_ =	strace s3  }
0x97: {  	_ =	strace $0x8FFFFFFF  }
0x98: {  	s19 =	sld [smem:$0x3FDB];
	_ =	sdelay $0x1  }
0x99: {  	s4 =	simm.s32 $_scs_section_size  }
0x9a: {  	s5 =	simm.s32 $_size__tile_overlayer_lowered;
	s6 =	simm.s32 $_tile_overlayer_lowered  }
0x9b: {  	s22 =	simm.s32 $0x1BFF;
	s21 =	sshll.u32 s6, $0x1;
	s3 =	sadd.s32 s4, s19  }
0x9c: {  	s7 =	simm.s32 $0x0;
	s20 =	sshll.u32 s5, $0x1;
	s5 =	sadd.s32 s21, s3  }
0x9d: {  	[timem:s7], [sflag:s22] =	dma.local [hbm:s5], s20  }
0x9e: {  	_ =	swait.ge [sflag:s22], s20  }
0x9f: {  	s4 =	ssub.s32 $0x0, s20;
	[sflag:s22] =	ssyncset.done $0x0  }
0xa0: {  	[sflag:s22] =	ssyncadd.s32 s4;
	_ =	sdelay $0x1  }
0xa1: {  	s23 =	simm.s32 $0x1B8B  }
0xa2: {  	_ =	swait.ge [sflag:s23], $0x1  }
0xa3: {  	[sflag:s23] =	ssyncset.done $0x0  }
0xa4: {  	s25 =	simm.s32 $0x1B8E;
	s24 =	sld [smem:$0x3FFE];
	[sflag:s23] =	ssyncadd.s32 $0xFFFFFFFF  }
0xa5: {  	s26 =	simm.s32 $execute0_lowered;
	[smem:$0x3FD2] =	sst s25  }
0xa6: {  	s5 =	sshll.u32 s26, $0x1;
	_ =	strace $0x8000004C;
	[dreg:$0x1] =	wrdreg $0xFFFFFFFF  }
0xa7: {  	s28 =	simm.s32 $_size_execute0_lowered;
	s3 =	sadd.s32 s3, s5;
	[dreg:$0x0] =	wrdreg $0x0  }
0xa8: {  	s5 =	sshll.u32 s28, $0x1;
	[dreg:$0x2] =	wrdreg s3  }
0xa9: {  	[dreg:$0x3] =	wrdreg s5  }
0xaa: {  	[dreg:$0x4] =	wrdreg $0xC0  }
0xab: {  	_ =	task [dreg:s7], $0x5FFFF  }
0xac: {  	[dreg:$0x1] =	wrdreg $0xFFFFFFFF  }
0xad: {  	[dreg:$0x0] =	wrdreg $0x60  }
0xae: {  	[dreg:$0x2] =	wrdreg s2  }
0xaf: {  	[dreg:$0x3] =	wrdreg s24  }
0xb0: {  	[dreg:$0x4] =	wrdreg $0xA9000  }
0xb1: {  	[dreg:$0x5] =	wrdreg $0x9  }
0xb2: {  	_ =	task.clear_ibuf [dreg:s7], $0x6FFFF;
	_ =	strace $0x9000004C  }
0xb3: {  	s29 =	simm.s32 $0x9;
	_ =	strace $0x8000004E  }
0xb4: {  	_ =	swait.ge [sflag:s29], $0x1  }
0xb5: {  	[sflag:s29] =	ssyncadd.s32 $0xFFFFFFFF  }
0xb6: {  	_ =	strace $0x9000004E  }
0xb7: {  	_ =	sfence  }
0xb8: {  	s30 =	sld [smem:$0x0];
	_ =	sdelay $0x2  }
0xb9: {  	s31 =	sshll.u32 s1, $0xD;
	s1 =	sshrl.u32 s1, $0x2  }
0xba: {  	s3 =	sand.u32 $0x4000, s31;
	s1 =	sadd.s32 s1, s30  }
0xbb: {  	s0 =	sor.u32 s3, s0;
	s1 =	sshll.u32 s1, $0x11  }
0xbc: {  	s0 =	sor.u32 s1, s0  }
0xbd: {  	s0 =	sadd.s32 $0x8F2B, s0  }
0xbe: {  	[sflag:s0] =	ssyncadd.remote.s32 $0x1  }
0xbf: {  	_ =	sfence.sel $0xFFFF  }
0xc0: {  	[dreg:$0x0] =	wrdreg $0xFFFFFFFF;
	(pc) =	sbr.abs _section_cstart, $3  }
0xc1: {  	[dreg:$0x1] =	wrdreg $0xFFFFFFFF  }
0xc2: {  	_ =	task.clear_ibuf [dreg:s7], $0x2FFFF;
	_ =	strace $0x9FFFFFFF  }
0xc3: {  	(tm) =	ssettm $0x7FFFFFFF  }
tec
execute0_lowered:
.L_overlay_start_1:
0x0: {  	(tag) =	ssettag $0x1  }
0x1: {  	s1 =	rddreg [dreg:$0x0]  }
0x2: {  	s2 =	rddreg [dreg:$0x1];
	s4 =	srdreg.scid  }
0x3: {  	s0 =	stileid.u32;
	s3 =	rddreg [dreg:$0x2]  }
0x4: {  	s22 =	simm.s32 $0x3;
	s23 =	simm.s32 $0x80;
	s24 =	simm.s32 $0x2900  }
0x5: {  	s25 =	simm.s32 $0x6900;
	s26 =	simm.s32 $0x1;
	s28 =	simm.s32 $0x2  }
0x6: {  	s30 =	simm.s32 $0x2780;
	s8 =	sand.u32 $0x1, s4;
	s7 =	smul.u32 $0x4F000, s0  }
0x7: {  	s5 =	sshll.u32 s0, $0x1;
	s4 =	simm.s32 $0x0;
	s13 =	smul.u32 $0x2780, s0  }
0x8: {  	s6 =	sadd.s32 $0x28800, s2;
	s31 =	smul.u32 $0x13C00, s0;
	p0 =	seq.s32 s0, $0xF  }
0x9: {  	p1 =	sgt.u32 s0, $0x1;
	s5 =	sor.u32 s8, s5;
	s15 =	smul.u32 $0x138800, s8  }
0xa: {  	[smem:$0x7FF] =	sst s4;
	s9 =	ssub.s32 $0x2, s8;
	s5 =	smul.u32 $0x2800, s5  }
0xb: {  	_ =	strace $0x8000004D;
	s10 =	sshrl.u32 s9, $0x1;
	s7 =	sshrl.u32 s7, $0x2  }
0xc: {  	s8 =	sadd.s32 s1, s13;
	s14 =	ssub.s32 s9, s10;
	s7 =	sadd.s32 s7, s3  }
0xd: {  	s9 =	sadd.s32 $0x128400, s3;
	s16 =	sshrl.u32 s15, $0x3;
	s15 =	sadd.s32 s31, s15  }
0xe: {  	s10 =	sadd.s32 $0x25080, s1;
	s12 =	sshrl.u32 s5, $0x3;
	s15 =	sshrl.u32 s15, $0x3  }
0xf: {  	[dreg:$0x4] =	wrdreg s9;
	s18 =	sshrl.u32 @p0 s9, $0x3;
	s20 =	sshrl.u32 @!p0 s7, $0x3  }
.Ltmp0:
0x10: {  	s11 =	sadd.s32 s12, s2;
	s2 =	sadd.s32 $0x32800, s2;
	(pc) =	sbr.rel .LBB2_1-.Ltmp0, $4  }
0x11: {  	s12 =	sadd.s32 s6, s12;
	s11 =	sadd.s32 $0x1000, s11;
	s16 =	sadd.s32 s2, s16  }
0x12: {  	s13 =	sadd.s32 $0x10, s12;
	s15 =	sadd.s32 s2, s15;
	s2 =	sshll.u32 @!p0 s0, $0x6  }
0x13: {  	s17 =	sadd.s32 $0x4E0, s12;
	s16 =	sadd.s32 $0x25080, s16;
	s19 =	sor.u32 @!p0 $0x1C03, s2  }
0x14: {  	s2 =	simm.s32 $0x0;
	[dreg:$0x5] =	wrdreg s16;
	s16 =	smax.u32 s14, $0x1  }
.LBB2_7:
0x15: {  	s0 =	rddreg [dreg:$0x4]  }
0x16: {  	s9 =	rddreg [dreg:$0x5];
	s14 =	simm.s32 $0x1FC3;
	s0 =	sshrl.u32 s0, $0x3  }
0x17: {  	[hbm:s9], [sflag:s14] =	dma.local [spmem:s0], $0x2080  }
0x18: {  	_ =	swait.ge [sflag:s22], $0x2080  }
0x19: {  	[sflag:s22] =	ssyncset.done $0x0  }
0x1a: {  	[sflag:s22] =	ssyncadd.s32 $0xFFFFDF80  }
.LBB2_8:
0x1b: {  	s2 =	sadd.s32 $0x1, s2  }
0x1c: {  	p2 =	sne.s32 s2, s16  }
.Ltmp1:
0x1d: {  	_ = 	snop;
	(pc) =	sbr.rel @!p2 .LBB2_9-.Ltmp1, $1  }
0x1e: {  	_ =	sdelay $0x3  }
.LBB2_1:
0x1f: {  	s14 =	simm.s32 @p0 $0x1FC3  }
0x20: {  	[spmem:s18], [sflag:s14] =	dma.local @p0 [hbm:s10], $0x2080  }
0x21: {  	s14 =	simm.s32 @p0 $0x3  }
0x22: {  	_ =	swait.ge @p0 [sflag:s14], $0x2080  }
0x23: {  	[sflag:s14] =	ssyncset.done @p0 $0x0  }
0x24: {  	[sflag:s14] =	ssyncadd.s32 @p0 $0xFFFFDF80;
	s14 =	simm.s32 @!p0 $0x3  }
0x25: {  	[spmem:s20], [sflag:s19] =	dma.local @!p0 [hbm:s8], $0x2780  }
0x26: {  	_ =	swait.ge @!p0 [sflag:s14], $0x2780  }
0x27: {  	[sflag:s14] =	ssyncset.done @!p0 $0x0  }
0x28: {  	[sflag:s14] =	ssyncadd.s32 @!p0 $0xFFFFD880  }
0x29: {  	s0 =	simm.s32 $0x100;
	[bflag:$0x0] =	sbarrier.arrive $0xFFFF  }
0x2a: {  	[tilespmem:s0], [sflag:$0x3] =	stream.linear.gather [hbm4b:s11+s4], $0x2780, $0x38;
	[tilespmem:$0x1E180] =	vst v63  }
0x2b: {  	_ =	swait.ge [sflag:s22], $0x2780  }
0x2c: {  	[sflag:s22] =	ssyncset.done $0x0  }
0x2d: {  	[sflag:s22] =	ssyncadd.s32 $0xFFFFD880  }
0x2e: {  	[tilespmem:s4], [sflag:$0x3] =	stream.linear.gather [hbm4b:s12+s4], $0x80, $0x38;
	[tilespmem:$0x1E180] =	vst v63  }
0x2f: {  	_ =	swait.ge [sflag:s22], $0x80  }
0x30: {  	[sflag:s22] =	ssyncset.done $0x0  }
0x31: {  	[sflag:s22] =	ssyncadd.s32 $0xFFFFFF80  }
0x32: {  	[tilespmem:s23], [sflag:$0x3] =	stream.linear.gather [hbm4b:s13+s4], $0x80, $0x38;
	[tilespmem:$0x1E180] =	vst v63  }
0x33: {  	_ =	swait.ge [sflag:s22], $0x80  }
0x34: {  	[sflag:s22] =	ssyncset.done $0x0  }
0x35: {  	[sflag:s22] =	ssyncadd.s32 $0xFFFFFF80  }
0x36: {  	[tilespmem:s24], [sflag:$0x1] =	stream.indirect.gather [hbm4b:s1+s23], $0x80, s4, s23, $0xb8;
	[tilespmem:$0x1E180] =	vst v63  }
0x37: {  	_ = 	snop  }
0x38: {  	[tilespmem:s25], [sflag:$0x2] =	stream.indirect.gather [hbm4b:s1+s23], $0x80, s23, s23, $0xb8;
	[tilespmem:$0x1E180] =	vst v63  }
0x39: {  	s21 =	simm.s32 $0x100;
	_ =	swait.ge [sflag:s26], $0x4000  }
0x3a: {  	s31 =	sand.u32 $0x7C00, s21;
	[sflag:s26] =	ssyncset.done $0x0  }
0x3b: {  	s9 =	sand.u32 $0x300, s21;
	s31 =	sadd.s32 s5, s31;
	[sflag:s26] =	ssyncadd.s32 $0xFFFFC000  }
0x3c: {  	[spmem:s3] =	stream.indirect.scatter.add.f32 [tilespmem:s24], [sflag:$0x3], $0x80, s21, s23, $0xb8;
	[tilespmem:$0x1E180] =	vst v63  }
0x3d: {  	s9 =	sor.u32 s9, s31;
	_ =	swait.ge [sflag:s22], $0x4000  }
0x3e: {  	s9 =	sshrl.u32 s9, $0x3;
	[sflag:s22] =	ssyncset.done $0x0  }
0x3f: {  	s9 =	sadd.s32 s6, s9;
	[sflag:s22] =	ssyncadd.s32 $0xFFFFC000  }
0x40: {  	[tilespmem:s4], [sflag:$0x3] =	stream.linear.gather [hbm4b:s9+s4], $0x80, $0x38;
	[tilespmem:$0x1E180] =	vst v63  }
0x41: {  	_ =	swait.ge [sflag:s22], $0x80  }
0x42: {  	[sflag:s22] =	ssyncset.done $0x0  }
0x43: {  	[sflag:s22] =	ssyncadd.s32 $0xFFFFFF80  }
0x44: {  	[tilespmem:s24], [sflag:$0x1] =	stream.indirect.gather [hbm4b:s1+s23], $0x80, s4, s23, $0xb8;
	[tilespmem:$0x1E180] =	vst v63  }
0x45: {  	s14 =	simm.s32 $0x180;
	_ =	swait.ge [sflag:s28], $0x4000  }
0x46: {  	s29 =	sand.u32 $0x7C00, s14;
	[sflag:s28] =	ssyncset.done $0x0  }
0x47: {  	s31 =	sand.u32 $0x380, s14;
	s9 =	sadd.s32 s5, s29;
	[sflag:s28] =	ssyncadd.s32 $0xFFFFC000  }
0x48: {  	[spmem:s3] =	stream.indirect.scatter.add.f32 [tilespmem:s25], [sflag:$0x3], $0x80, s14, s23, $0xb8;
	[tilespmem:$0x1E180] =	vst v63  }
0x49: {  	s9 =	sor.u32 s31, s9;
	_ =	swait.ge [sflag:s22], $0x4000  }
0x4a: {  	s9 =	sshrl.u32 s9, $0x3;
	[sflag:s22] =	ssyncset.done $0x0  }
0x4b: {  	s9 =	sadd.s32 s6, s9;
	[sflag:s22] =	ssyncadd.s32 $0xFFFFC000  }
0x4c: {  	[tilespmem:s23], [sflag:$0x3] =	stream.linear.gather [hbm4b:s9+s4], $0x80, $0x38;
	[tilespmem:$0x1E180] =	vst v63  }
0x4d: {  	_ =	swait.ge [sflag:s22], $0x80  }
0x4e: {  	s31 =	simm.s32 $0x280;
	[sflag:s22] =	ssyncset.done $0x0  }
.LBB2_2:
0x4f: {  	p2 =	sne.s32 s31, $0x2680  }
0x50: {  	[sflag:s22] =	ssyncadd.s32 $0xFFFFFF80;
	s14 =	sadd.s32 $0x100, s14;
	s9 =	smov.u32 s31  }
0x51: {  	[tilespmem:s25], [sflag:$0x2] =	stream.indirect.gather [hbm4b:s1+s23], $0x80, s23, s23, $0xb8;
	[tilespmem:$0x1E180] =	vst v63  }
0x52: {  	s21 =	sadd.s32 $0xFFFFFF80, s31;
	s0 =	sadd.s32 $0xFFFFFF80, s14;
	_ =	swait.ge [sflag:s26], $0x4000  }
0x53: {  	s29 =	sand.u32 $0x7C00, s21;
	s21 =	sand.u32 $0x300, s21;
	[sflag:s26] =	ssyncset.done $0x0  }
0x54: {  	s31 =	sadd.s32 $0x100, s31;
	s29 =	sadd.s32 s5, s29;
	[sflag:s26] =	ssyncadd.s32 $0xFFFFC000  }
0x55: {  	[spmem:s3] =	stream.indirect.scatter.add.f32 [tilespmem:s24], [sflag:$0x3], $0x80, s0, s23, $0xb8;
	[tilespmem:$0x1E180] =	vst v63  }
0x56: {  	s0 =	sor.u32 s21, s29;
	_ =	swait.ge [sflag:s22], $0x4000  }
0x57: {  	s0 =	sshrl.u32 s0, $0x3;
	[sflag:s22] =	ssyncset.done $0x0  }
0x58: {  	s0 =	sadd.s32 s6, s0;
	[sflag:s22] =	ssyncadd.s32 $0xFFFFC000  }
0x59: {  	[tilespmem:s4], [sflag:$0x3] =	stream.linear.gather [hbm4b:s0+s4], $0x80, $0x38;
	[tilespmem:$0x1E180] =	vst v63  }
0x5a: {  	_ =	swait.ge [sflag:s22], $0x80  }
0x5b: {  	[sflag:s22] =	ssyncset.done $0x0  }
0x5c: {  	[sflag:s22] =	ssyncadd.s32 $0xFFFFFF80  }
0x5d: {  	[tilespmem:s24], [sflag:$0x1] =	stream.indirect.gather [hbm4b:s1+s23], $0x80, s4, s23, $0xb8;
	[tilespmem:$0x1E180] =	vst v63  }
0x5e: {  	_ =	swait.ge [sflag:s28], $0x4000  }
0x5f: {  	s0 =	sand.u32 $0x7C00, s9;
	[sflag:s28] =	ssyncset.done $0x0  }
0x60: {  	s9 =	sand.u32 $0x380, s9;
	s0 =	sadd.s32 s5, s0;
	[sflag:s28] =	ssyncadd.s32 $0xFFFFC000  }
0x61: {  	[spmem:s3] =	stream.indirect.scatter.add.f32 [tilespmem:s25], [sflag:$0x3], $0x80, s14, s23, $0xb8;
	[tilespmem:$0x1E180] =	vst v63  }
0x62: {  	s0 =	sor.u32 s9, s0;
	_ =	swait.ge [sflag:s22], $0x4000  }
.Ltmp2:
0x63: {  	s0 =	sshrl.u32 s0, $0x3;
	[sflag:s22] =	ssyncset.done $0x0;
	(pc) =	sbr.rel @p2 .LBB2_2-.Ltmp2, $4  }
0x64: {  	s0 =	sadd.s32 s6, s0;
	[sflag:s22] =	ssyncadd.s32 $0xFFFFC000  }
0x65: {  	[tilespmem:s23], [sflag:$0x3] =	stream.linear.gather [hbm4b:s0+s4], $0x80, $0x38;
	[tilespmem:$0x1E180] =	vst v63  }
0x66: {  	_ =	swait.ge [sflag:s22], $0x80  }
0x67: {  	[sflag:s22] =	ssyncset.done $0x0  }
0x68: {  	[sflag:s22] =	ssyncadd.s32 $0xFFFFFF80  }
0x69: {  	[tilespmem:s25], [sflag:$0x2] =	stream.indirect.gather [hbm4b:s1+s23], $0x80, s23, s23, $0xb8;
	[tilespmem:$0x1E180] =	vst v63  }
0x6a: {  	_ =	swait.ge [sflag:s26], $0x4000  }
0x6b: {  	[sflag:s26] =	ssyncset.done $0x0  }
0x6c: {  	s0 =	simm.s32 $0x2700;
	[sflag:s26] =	ssyncadd.s32 $0xFFFFC000  }
0x6d: {  	[spmem:s3] =	stream.indirect.scatter.add.f32 [tilespmem:s24], [sflag:$0x3], $0x80, s0, s23, $0xb8;
	[tilespmem:$0x1E180] =	vst v63  }
0x6e: {  	_ =	swait.ge [sflag:s22], $0x4000  }
0x6f: {  	[sflag:s22] =	ssyncset.done $0x0  }
0x70: {  	[sflag:s22] =	ssyncadd.s32 $0xFFFFC000  }
0x71: {  	[tilespmem:s4], [sflag:$0x3] =	stream.linear.gather [hbm4b:s17+s4], $0x80, $0x38;
	[tilespmem:$0x1E180] =	vst v63  }
0x72: {  	_ =	swait.ge [sflag:s22], $0x80  }
0x73: {  	[sflag:s22] =	ssyncset.done $0x0  }
0x74: {  	[sflag:s22] =	ssyncadd.s32 $0xFFFFFF80  }
0x75: {  	[tilespmem:s24], [sflag:$0x1] =	stream.indirect.gather [hbm4b:s1+s23], $0x80, s4, s23, $0xb8;
	[tilespmem:$0x1E180] =	vst v63  }
0x76: {  	_ =	swait.ge [sflag:s28], $0x4000  }
0x77: {  	[sflag:s28] =	ssyncset.done $0x0  }
0x78: {  	[sflag:s28] =	ssyncadd.s32 $0xFFFFC000  }
0x79: {  	[spmem:s3] =	stream.indirect.scatter.add.f32 [tilespmem:s25], [sflag:$0x3], $0x80, s30, s23, $0xb8;
	[tilespmem:$0x1E180] =	vst v63  }
0x7a: {  	_ =	swait.ge [sflag:s22], $0x4000  }
.Ltmp3:
0x7b: {  	[sflag:s22] =	ssyncset.done $0x0;
	(pc) =	sbr.rel @p1 .LBB2_5-.Ltmp3, $4  }
0x7c: {  	[sflag:s22] =	ssyncadd.s32 $0xFFFFC000  }
0x7d: {  	_ =	swait.ge [sflag:s26], $0x4000  }
0x7e: {  	[sflag:s26] =	ssyncset.done $0x0  }
0x7f: {  	[sflag:s26] =	ssyncadd.s32 $0xFFFFC000  }
0x80: {  	s0 =	simm.s32 $0x2800  }
0x81: {  	[spmem:s3] =	stream.indirect.scatter.add.f32 [tilespmem:s24], [sflag:$0x3], $0x80, s0, s23, $0xb8;
	[tilespmem:$0x1E180] =	vst v63  }
.Ltmp4:
0x82: {  	_ =	swait.ge [sflag:s22], $0x4000;
	(pc) =	sbr.rel .LBB2_6-.Ltmp4, $3  }
0x83: {  	[sflag:s22] =	ssyncset.done $0x0  }
0x84: {  	[sflag:s22] =	ssyncadd.s32 $0xFFFFC000  }
0x85: {  	[bflag:$0x0] =	sbarrier.arrive $0xFFFF;
	_ =	sdelay $0x1  }
.LBB2_5:
.Ltmp5:
0x86: {  	(pc) =	sbr.rel @p0 .LBB2_7-.Ltmp5, $2  }
0x87: {  	_ =	sdelay $0x1  }
0x88: {  	[bflag:$0x0] =	sbarrier.arrive $0xFFFF;
	_ =	sdelay $0x1  }
.LBB2_6:
0x89: {  	s0 =	stileid.u32  }
0x8a: {  	s0 =	sshll.u32 s0, $0x6  }
.Ltmp6:
0x8b: {  	s9 =	sshrl.u32 s7, $0x3;
	s0 =	sor.u32 $0x1C03, s0;
	(pc) =	sbr.rel .LBB2_8-.Ltmp6, $4  }
0x8c: {  	[hbm:s15], [sflag:s0] =	dma.local [spmem:s9], $0x2780  }
0x8d: {  	_ =	swait.ge [sflag:s22], $0x2780  }
0x8e: {  	[sflag:s22] =	ssyncset.done $0x0  }
0x8f: {  	[sflag:s22] =	ssyncadd.s32 $0xFFFFD880  }
.LBB2_9:
0x90: {  	_ =	sfence.sel $0x180000  }
0x91: {  	[bflag:$0x0] =	sbarrier.arrive $0xFFFF  }
0x92: {  	_ =	strace $0x9000004D  }
0x93: {  	s0 =	stileid.u32;
	[bflag:$0x2] =	sbarrier.arrive $0xFFFF  }
0x94: {  	p0 =	sne.s32 s0, $0x0;
	s0 =	rddreg [dreg:$0x3]  }
0x95: {  	s0 =	sadd.s32 @!p0 $0x100000, s0  }
0x96: {  	[sflag:s0] =	ssyncadd.tile.s32 @!p0 $0x1;
	_ =	shalt  }
.Lfunc_end2:
_tile_overlayer_lowered:
.L_overlay_start_2:
0x97: {  	(tag) =	ssettag $0x2  }
0x98: {  	s0 =	rddreg [dreg:$0x0];
	s2 =	stileid.u32  }
0x99: {  	s1 =	rddreg [dreg:$0x1];
	p0 =	sne.s32 s2, $0x0  }
0x9a: {  	s3 =	rddreg [dreg:$0x2];
	[bflag:$0x3] =	sbarrier.arrive $0xFFFF;
	s2 =	simm.s32 @!p0 $0x1C03  }
0x9b: {  	[timem:s3], [sflag:s2] =	dma.local @!p0 [hbm:s0], s1  }
0x9c: {  	s0 =	simm.s32 @!p0 $0x3  }
0x9d: {  	_ =	swait.ge @!p0 [sflag:s0], s1  }
0x9e: {  	s1 =	ssub.s32 @!p0 $0x0, s1;
	[sflag:s0] =	ssyncset.done @!p0 $0x0  }
0x9f: {  	[sflag:s0] =	ssyncadd.s32 @!p0 s1  }
0xa0: {  	[bflag:$0x3] =	sbarrier.arrive $0xFFFF  }
0xa1: {  	_ =	shalt  }

</sc_bundles>
